<compile_context>
chip_gen: v7x
topology: tpu7x:2x2x1
jax: 0.10.2.dev20260603
libtpu: 0.0.44.dev20260713+nightly
codegen_flags: <defaults>
</compile_context>

<pallas_src>
import functools

import jax
import jax.numpy as jnp
from jax import lax
from jax.experimental import pallas as pl
from jax.experimental.pallas import tpu as pltpu
from jax.experimental.pallas import tpu_sc as plsc

N = 10000
E = 320000
D = 128
B = 128

NC = 2
NS = 16
NW = NC * NS
EPT = E // NW
K = 128
NCH = (EPT + K - 1) // K
NCH_PAD = 80
EPT_PAD = NCH_PAD * K
NPAD = 10112
RPT = NPAD // NS
DUMMY_DST = N



def _sc_edge_agg_body(h_hbm, src_hbm, dst_hbm, zeros_hbm, out_hbm,
                      srcv, dstv, rows_a, rows_b, agg,
                      gsem_a, gsem_b, isem_a, isem_b):
    c = lax.axis_index("c")
    s = lax.axis_index("s")
    wid = c * NS + s

    pltpu.sync_copy(src_hbm.at[wid], srcv)

    pltpu.sync_copy(zeros_hbm.at[pl.ds(s * RPT, RPT)],
                    agg.at[pl.ds(s * RPT, RPT)])
    plsc.subcore_barrier()

    H = K // 2

    def fetch(g, rows, dslot, gsem, isem):
        pltpu.async_copy(h_hbm.at[srcv.at[g, pl.ds(0, H)]],
                         rows.at[pl.ds(0, H)], gsem)
        pltpu.async_copy(h_hbm.at[srcv.at[g, pl.ds(H, H)]],
                         rows.at[pl.ds(H, H)], gsem)
        pltpu.async_copy(dst_hbm.at[wid, g], dstv.at[dslot], isem)

    def drain(g, rows, dslot, gsem, isem):
        pltpu.make_async_copy(h_hbm.at[srcv.at[g, pl.ds(0, H)]],
                              rows.at[pl.ds(0, H)], gsem).wait()
        pltpu.make_async_copy(h_hbm.at[srcv.at[g, pl.ds(H, H)]],
                              rows.at[pl.ds(H, H)], gsem).wait()
        pltpu.make_async_copy(dst_hbm.at[wid, g], dstv.at[dslot], isem).wait()
        pltpu.sync_copy(rows, agg.at[dstv.at[dslot]], add=True)

    fetch(0, rows_a, 0, gsem_a, isem_a)

    def pair(i, carry):
        ga = 2 * i
        fetch(ga + 1, rows_b, 1, gsem_b, isem_b)
        drain(ga, rows_a, 0, gsem_a, isem_a)

        @pl.when(i < NCH_PAD // 2 - 1)
        def _():
            fetch(ga + 2, rows_a, 0, gsem_a, isem_a)

        drain(ga + 1, rows_b, 1, gsem_b, isem_b)
        return carry

    lax.fori_loop(0, NCH_PAD // 2, pair, 0)
    plsc.subcore_barrier()

    pltpu.sync_copy(agg.at[pl.ds(s * RPT, RPT)],
                    out_hbm.at[pl.ds(c * NPAD + s * RPT, RPT)])


@functools.cache
def _sc_edge_agg():
    return pl.kernel(
        _sc_edge_agg_body,
        out_type=jax.ShapeDtypeStruct((NC * NPAD, D), jnp.float32),
        mesh=plsc.VectorSubcoreMesh(core_axis_name="c", subcore_axis_name="s",
                                    num_cores=NC, num_subcores=NS),
        scratch_types=[
            pltpu.VMEM((NCH_PAD, K), jnp.int32),
            pltpu.VMEM((2, K), jnp.int32),
            pltpu.VMEM((K, D), jnp.float32),
            pltpu.VMEM((K, D), jnp.float32),
            pltpu.VMEM_SHARED((NPAD, D), jnp.float32),
            pltpu.SemaphoreType.DMA,
            pltpu.SemaphoreType.DMA,
            pltpu.SemaphoreType.DMA,
            pltpu.SemaphoreType.DMA,
        ],
    )



def _tc_layer_body(h_ref, aggs_ref, wa_ref, ba_ref, wb_ref, bb_ref,
                   g_ref, be_ref, o_ref):
    a0 = aggs_ref[0:N, :]
    a1 = aggs_ref[NPAD:NPAD + N, :]
    m = h_ref[...] + a0 + a1
    t = jnp.dot(m, wa_ref[...], preferred_element_type=jnp.float32)
    t = jnp.maximum(t + ba_ref[...], 0.0)
    u = jnp.dot(t, wb_ref[...], preferred_element_type=jnp.float32)
    r = jnp.maximum(u + bb_ref[...], 0.0)
    mu = jnp.mean(r, axis=0, keepdims=True)
    var = jnp.mean(jnp.square(r - mu), axis=0, keepdims=True)
    o_ref[...] = g_ref[...] * (r - mu) / jnp.sqrt(var + 1e-5) + be_ref[...]


_tc_layer = pl.pallas_call(
    _tc_layer_body,
    out_shape=jax.ShapeDtypeStruct((N, D), jnp.float32),
)



def _tc_head_body(h_ref, b_ref, lw_ref, lb_ref, f1w_ref, f1b_ref, o_ref):
    seg = b_ref[...]
    row = lax.broadcasted_iota(jnp.int32, (B, N), 0)
    oh = (row == seg).astype(jnp.float32)
    xpool = jnp.dot(oh, h_ref[...], preferred_element_type=jnp.float32)
    y = jnp.dot(xpool, lw_ref[...], preferred_element_type=jnp.float32)
    y = y + lb_ref[...]
    z = jnp.dot(y, f1w_ref[...], preferred_element_type=jnp.float32)
    o_ref[...] = jnp.maximum(z + f1b_ref[...], 0.0)


_tc_head = pl.pallas_call(
    _tc_head_body,
    out_shape=jax.ShapeDtypeStruct((B, D), jnp.float32),
)



def kernel(x, edge_index, batch,
           w0a, b0a, w0b, b0b, w1a, b1a, w1b, b1b, w2a, b2a, w2b, b2b,
           g0, be0, g1, be1, g2, be2,
           lin0_w, lin0_b, fc1_w, fc1_b, fc2_w, fc2_b):
    src = edge_index[0].reshape(NW, EPT)
    dst = edge_index[1].reshape(NW, EPT)
    pad = ((0, 0), (0, EPT_PAD - EPT))
    src_t = jnp.pad(src, pad).reshape(NW, NCH_PAD, K)
    dst_t = jnp.pad(dst, pad, constant_values=DUMMY_DST).reshape(NW, NCH_PAD, K)
    zeros = jnp.zeros((NPAD, D), jnp.float32)

    h = x
    layers = [(w0a, b0a, w0b, b0b, g0, be0),
              (w1a, b1a, w1b, b1b, g1, be1),
              (w2a, b2a, w2b, b2b, g2, be2)]
    for (wa, ba, wb, bb, g, be) in layers:
        aggs = _sc_edge_agg()(h, src_t, dst_t, zeros)
        h = _tc_layer(h, aggs, wa, ba.reshape(1, D), wb, bb.reshape(1, D),
                      g.reshape(1, D), be.reshape(1, D))

    return _tc_head(h, batch.reshape(1, N), lin0_w, lin0_b.reshape(1, 2 * D),
                    fc1_w, fc1_b.reshape(1, D))

# --- scband reference (transcript-rebuilt; emitter-appended) ---
"""Pipeline reference for scband-net-17205638988409 (READ-ONLY COPY).

The authoritative reference and input builder live on the scoring server;
editing this copy changes nothing except your own understanding.
"""

import jax, jax.numpy as jnp
import numpy as np

N = 10000
E = 320000
F = 128
D = 128
B = 128
C = 10


def _glorot(k, shape):
    lim = float(np.sqrt(6.0 / (shape[0] + shape[1])))
    return jax.random.uniform(k, shape, jnp.float32, -lim, lim)


def setup_inputs(seed: int = 0) -> dict:
    key = jax.random.key(seed)
    ks = jax.random.split(key, 16)
    inp = {}
    inp['x'] = jax.random.normal(ks[0], (N, F), jnp.float32)
    inp['edge_index'] = jax.random.randint(ks[1], (2, E), 0, N, jnp.int32)
    inp['batch'] = jnp.sort(jax.random.randint(ks[2], (N,), 0, B, jnp.int32))
    # GINConv MLP params (layer 0: F->D->D, layers 1,2: D->D->D)
    inp['w0a'] = _glorot(ks[3], (F, D)); inp['b0a'] = jnp.zeros((D,), jnp.float32)
    inp['w0b'] = _glorot(ks[4], (D, D)); inp['b0b'] = jnp.zeros((D,), jnp.float32)
    inp['w1a'] = _glorot(ks[5], (D, D)); inp['b1a'] = jnp.zeros((D,), jnp.float32)
    inp['w1b'] = _glorot(ks[6], (D, D)); inp['b1b'] = jnp.zeros((D,), jnp.float32)
    inp['w2a'] = _glorot(ks[7], (D, D)); inp['b2a'] = jnp.zeros((D,), jnp.float32)
    inp['w2b'] = _glorot(ks[8], (D, D)); inp['b2b'] = jnp.zeros((D,), jnp.float32)
    # BatchNorm params
    inp['g0'] = jnp.ones((D,), jnp.float32); inp['be0'] = jnp.zeros((D,), jnp.float32)
    inp['g1'] = jnp.ones((D,), jnp.float32); inp['be1'] = jnp.zeros((D,), jnp.float32)
    inp['g2'] = jnp.ones((D,), jnp.float32); inp['be2'] = jnp.zeros((D,), jnp.float32)
    # lin0: D -> 2D, fc1: 2D -> D, fc2: D -> C
    inp['lin0_w'] = _glorot(ks[9], (D, 2 * D)); inp['lin0_b'] = jnp.zeros((2 * D,), jnp.float32)
    inp['fc1_w'] = _glorot(ks[10], (2 * D, D)); inp['fc1_b'] = jnp.zeros((D,), jnp.float32)
    inp['fc2_w'] = _glorot(ks[11], (D, C)); inp['fc2_b'] = jnp.zeros((C,), jnp.float32)
    return inp


def reference(x, edge_index, batch,
              w0a, b0a, w0b, b0b, w1a, b1a, w1b, b1b, w2a, b2a, w2b, b2b,
              g0, be0, g1, be1, g2, be2,
              lin0_w, lin0_b, fc1_w, fc1_b, fc2_w, fc2_b):
    src = edge_index[0]
    dst = edge_index[1]

    def gin_conv(h, wa, ba, wb, bb):
        # GINConv with eps=0: nn(x_i + sum_{j->i} x_j)
        agg = jax.ops.segment_sum(h[src], dst, num_segments=N)
        m = h + agg
        m = jax.nn.relu(m @ wa + ba)
        return m @ wb + bb

    def batch_norm(h, g, b):
        mu = jnp.mean(h, axis=0)
        var = jnp.var(h, axis=0)
        return g * (h - mu) / jnp.sqrt(var + 1e-5) + b

    h = x
    layers = [(w0a, b0a, w0b, b0b, g0, be0),
              (w1a, b1a, w1b, b1b, g1, be1),
              (w2a, b2a, w2b, b2b, g2, be2)]
    for (wa, ba, wb, bb, g, b) in layers:
        h = jax.nn.relu(gin_conv(h, wa, ba, wb, bb))
        h = batch_norm(h, g, b)
    xpool = jax.ops.segment_sum(h, batch, num_segments=B)  # global_add_pool
    y = xpool @ lin0_w + lin0_b
    out = jax.nn.relu(y @ fc1_w + fc1_b)
    outt = out @ fc2_w + fc2_b  # computed but discarded (show_embedding=True)
    return out

if __name__ == "__main__":
    import jax
    _d = setup_inputs()
    print(jax.jit(kernel)(*tuple(_d.values())))

</pallas_src>

<mosaic_0001>
#map = affine_map<(d0, d1) -> (0, 0)>
#map1 = affine_map<(d0, d1) -> (0, 0, 0)>
module attributes {stable_mosaic.version = 14 : i64} {
  func.func @_sc_edge_agg_body(%arg0: i32, %arg1: i32, %arg2: memref<10000x128xf32, #tpu.memory_space<hbm>>, %arg3: memref<32x80x128xi32, #tpu.memory_space<hbm>>, %arg4: memref<32x80x128xi32, #tpu.memory_space<hbm>>, %arg5: memref<10112x128xf32, #tpu.memory_space<hbm>>, %arg6: memref<20224x128xf32, #tpu.memory_space<hbm>>, %arg7: memref<80x128xi32, #tpu.memory_space<vmem>>, %arg8: memref<2x128xi32, #tpu.memory_space<vmem>>, %arg9: memref<128x128xf32, #tpu.memory_space<vmem>>, %arg10: memref<128x128xf32, #tpu.memory_space<vmem>>, %arg11: memref<10112x128xf32, #tpu.memory_space<vmem_shared>>, %arg12: memref<!tpu.dma_semaphore, #tpu.memory_space<semaphore_mem>>, %arg13: memref<!tpu.dma_semaphore, #tpu.memory_space<semaphore_mem>>, %arg14: memref<!tpu.dma_semaphore, #tpu.memory_space<semaphore_mem>>, %arg15: memref<!tpu.dma_semaphore, #tpu.memory_space<semaphore_mem>>) attributes {dimension_semantics = [#tpu.dimension_semantics<core_parallel>, #tpu.dimension_semantics<subcore_parallel>], iteration_bounds = array<i64: 2, 16>, scalar_prefetch = 0 : i64, scratch_operands = 9 : i64, tpu.core_type = #tpu.core_type<sc_vector_subcore>, window_params = [{transform_indices = #map}, {transform_indices = #map1}, {transform_indices = #map1}, {transform_indices = #map}, {transform_indices = #map}]} {
    %mul3A = arith.constant 16 : i32
    %mul3A_0 = arith.muli %arg0, %mul3A : i32
    %add3A = arith.addi %mul3A_0, %arg1 : i32
    "tpu.region"() ({
      %run_scoped3A = tpu.sem_alloc : memref<!tpu.dma_semaphore, #tpu.memory_space<semaphore_mem>>
      %dma_start3A_51 = arith.constant 0 : i32
      %dma_start3A_52 = arith.constant 0 : i32
      %dma_start3A_53 = tpu.memref_slice %arg3[%add3A, %dma_start3A_51, %dma_start3A_52] : memref<32x80x128xi32, #tpu.memory_space<hbm>> -> memref<1x80x128xi32, #tpu.memory_space<hbm>>
      %dma_start3A_54 = tpu.memref_squeeze %dma_start3A_53 : memref<1x80x128xi32, #tpu.memory_space<hbm>> -> memref<80x128xi32, #tpu.memory_space<hbm>>
      %dma_start3A_55 = arith.constant 0 : i32
      %dma_start3A_56 = arith.constant 0 : i32
      %dma_start3A_57 = tpu.memref_slice %arg3[%add3A, %dma_start3A_55, %dma_start3A_56] : memref<32x80x128xi32, #tpu.memory_space<hbm>> -> memref<1x80x128xi32, #tpu.memory_space<hbm>>
      %dma_start3A_58 = tpu.memref_squeeze %dma_start3A_57 : memref<1x80x128xi32, #tpu.memory_space<hbm>> -> memref<80x128xi32, #tpu.memory_space<hbm>>
      tpu.enqueue_dma source(%dma_start3A_58 : memref<80x128xi32, #tpu.memory_space<hbm>>) target(%arg7 : memref<80x128xi32, #tpu.memory_space<vmem>>) target_semaphore(%run_scoped3A : memref<!tpu.dma_semaphore, #tpu.memory_space<semaphore_mem>>)
      %dma_wait3A = arith.constant 0 : i32
      %dma_wait3A_59 = arith.constant 0 : i32
      %dma_wait3A_60 = tpu.memref_slice %arg3[%add3A, %dma_wait3A, %dma_wait3A_59] : memref<32x80x128xi32, #tpu.memory_space<hbm>> -> memref<1x80x128xi32, #tpu.memory_space<hbm>>
      %dma_wait3A_61 = tpu.memref_squeeze %dma_wait3A_60 : memref<1x80x128xi32, #tpu.memory_space<hbm>> -> memref<80x128xi32, #tpu.memory_space<hbm>>
      %dma_wait3A_62 = arith.constant 0 : i32
      %dma_wait3A_63 = arith.constant 0 : i32
      %dma_wait3A_64 = tpu.memref_slice %arg3[%add3A, %dma_wait3A_62, %dma_wait3A_63] : memref<32x80x128xi32, #tpu.memory_space<hbm>> -> memref<1x80x128xi32, #tpu.memory_space<hbm>>
      %dma_wait3A_65 = tpu.memref_squeeze %dma_wait3A_64 : memref<1x80x128xi32, #tpu.memory_space<hbm>> -> memref<80x128xi32, #tpu.memory_space<hbm>>
      tpu.wait_dma2 semaphore(%run_scoped3A : memref<!tpu.dma_semaphore, #tpu.memory_space<semaphore_mem>>) src(%dma_wait3A_65 : memref<80x128xi32, #tpu.memory_space<hbm>>) dst(%arg7 : memref<80x128xi32, #tpu.memory_space<vmem>>)
      tpu.yield
    }) : () -> ()
    %mul3A_1 = arith.constant 632 : i32
    %mul3A_2 = arith.muli %arg1, %mul3A_1 : i32
    %mul3A_3 = arith.constant 632 : i32
    %mul3A_4 = arith.muli %arg1, %mul3A_3 : i32
    "tpu.region"() ({
      %run_scoped3A = tpu.sem_alloc : memref<!tpu.dma_semaphore, #tpu.memory_space<semaphore_mem>>
      %dma_start3A_51 = arith.constant 0 : i32
      %dma_start3A_52 = tpu.memref_slice %arg11[%mul3A_4, %dma_start3A_51] : memref<10112x128xf32, #tpu.memory_space<vmem_shared>> -> memref<632x128xf32, #tpu.memory_space<vmem_shared>>
      %dma_start3A_53 = arith.constant 0 : i32
      %dma_start3A_54 = tpu.memref_slice %arg5[%mul3A_2, %dma_start3A_53] : memref<10112x128xf32, #tpu.memory_space<hbm>> -> memref<632x128xf32, #tpu.memory_space<hbm>>
      tpu.enqueue_dma source(%dma_start3A_54 : memref<632x128xf32, #tpu.memory_space<hbm>>) target(%dma_start3A_52 : memref<632x128xf32, #tpu.memory_space<vmem_shared>>) target_semaphore(%run_scoped3A : memref<!tpu.dma_semaphore, #tpu.memory_space<semaphore_mem>>)
      %dma_wait3A = arith.constant 0 : i32
      %dma_wait3A_55 = tpu.memref_slice %arg11[%mul3A_4, %dma_wait3A] : memref<10112x128xf32, #tpu.memory_space<vmem_shared>> -> memref<632x128xf32, #tpu.memory_space<vmem_shared>>
      %dma_wait3A_56 = arith.constant 0 : i32
      %dma_wait3A_57 = tpu.memref_slice %arg5[%mul3A_2, %dma_wait3A_56] : memref<10112x128xf32, #tpu.memory_space<hbm>> -> memref<632x128xf32, #tpu.memory_space<hbm>>
      tpu.wait_dma2 semaphore(%run_scoped3A : memref<!tpu.dma_semaphore, #tpu.memory_space<semaphore_mem>>) src(%dma_wait3A_57 : memref<632x128xf32, #tpu.memory_space<hbm>>) dst(%dma_wait3A_55 : memref<632x128xf32, #tpu.memory_space<vmem_shared>>)
      tpu.yield
    }) : () -> ()
    %barrier3A = arith.constant 0 : index
    tpu.barrier barrier_id(%barrier3A)
    %dma_start3A = arith.constant 0 : i32
    %dma_start3A_5 = arith.constant 0 : i32
    %dma_start3A_6 = arith.constant 0 : i32
    %dma_start3A_7 = tpu.memref_slice %arg9[%dma_start3A_5, %dma_start3A_6] : memref<128x128xf32, #tpu.memory_space<vmem>> -> memref<64x128xf32, #tpu.memory_space<vmem>>
    %dma_start3A_8 = arith.constant 0 : i32
    %dma_start3A_9 = tpu.memref_slice %arg7[%dma_start3A, %dma_start3A_8] : memref<80x128xi32, #tpu.memory_space<vmem>> -> memref<1x64xi32, #tpu.memory_space<vmem>>
    %dma_start3A_10 = tpu.memref_squeeze %dma_start3A_9 : memref<1x64xi32, #tpu.memory_space<vmem>> -> memref<64xi32, #tpu.memory_space<vmem>>
    %dma_start3A_11 = arith.constant 0 : i32
    %dma_start3A_12 = arith.constant 0 : i32
    %dma_start3A_13 = tpu.memref_slice %arg2[%dma_start3A_11, %dma_start3A_12] : memref<10000x128xf32, #tpu.memory_space<hbm>> -> memref<10000x128xf32, #tpu.memory_space<hbm>>
    tpu.enqueue_indirect_dma source(%dma_start3A_13 : memref<10000x128xf32, #tpu.memory_space<hbm>>) target(%dma_start3A_7 : memref<64x128xf32, #tpu.memory_space<vmem>>) offsets(%dma_start3A_10 : memref<64xi32, #tpu.memory_space<vmem>>) semaphore(%arg12 : memref<!tpu.dma_semaphore, #tpu.memory_space<semaphore_mem>>)
    %dma_start3A_14 = arith.constant 0 : i32
    %dma_start3A_15 = arith.constant 64 : i32
    %dma_start3A_16 = arith.constant 0 : i32
    %dma_start3A_17 = tpu.memref_slice %arg9[%dma_start3A_15, %dma_start3A_16] : memref<128x128xf32, #tpu.memory_space<vmem>> -> memref<64x128xf32, #tpu.memory_space<vmem>>
    %dma_start3A_18 = arith.constant 64 : i32
    %dma_start3A_19 = tpu.memref_slice %arg7[%dma_start3A_14, %dma_start3A_18] : memref<80x128xi32, #tpu.memory_space<vmem>> -> memref<1x64xi32, #tpu.memory_space<vmem>>
    %dma_start3A_20 = tpu.memref_squeeze %dma_start3A_19 : memref<1x64xi32, #tpu.memory_space<vmem>> -> memref<64xi32, #tpu.memory_space<vmem>>
    %dma_start3A_21 = arith.constant 0 : i32
    %dma_start3A_22 = arith.constant 0 : i32
    %dma_start3A_23 = tpu.memref_slice %arg2[%dma_start3A_21, %dma_start3A_22] : memref<10000x128xf32, #tpu.memory_space<hbm>> -> memref<10000x128xf32, #tpu.memory_space<hbm>>
    tpu.enqueue_indirect_dma source(%dma_start3A_23 : memref<10000x128xf32, #tpu.memory_space<hbm>>) target(%dma_start3A_17 : memref<64x128xf32, #tpu.memory_space<vmem>>) offsets(%dma_start3A_20 : memref<64xi32, #tpu.memory_space<vmem>>) semaphore(%arg12 : memref<!tpu.dma_semaphore, #tpu.memory_space<semaphore_mem>>)
    %dma_start3A_24 = arith.constant 0 : i32
    %dma_start3A_25 = arith.constant 0 : i32
    %dma_start3A_26 = arith.constant 0 : i32
    %dma_start3A_27 = tpu.memref_slice %arg8[%dma_start3A_25, %dma_start3A_26] : memref<2x128xi32, #tpu.memory_space<vmem>> -> memref<1x128xi32, #tpu.memory_space<vmem>>
    %dma_start3A_28 = tpu.memref_squeeze %dma_start3A_27 : memref<1x128xi32, #tpu.memory_space<vmem>> -> memref<128xi32, #tpu.memory_space<vmem>>
    %dma_start3A_29 = arith.constant 0 : i32
    %dma_start3A_30 = tpu.memref_slice %arg4[%add3A, %dma_start3A_24, %dma_start3A_29] : memref<32x80x128xi32, #tpu.memory_space<hbm>> -> memref<1x1x128xi32, #tpu.memory_space<hbm>>
    %dma_start3A_31 = tpu.memref_squeeze %dma_start3A_30 : memref<1x1x128xi32, #tpu.memory_space<hbm>> -> memref<128xi32, #tpu.memory_space<hbm>>
    %dma_start3A_32 = arith.constant 0 : i32
    %dma_start3A_33 = tpu.memref_slice %arg8[%dma_start3A_25, %dma_start3A_32] : memref<2x128xi32, #tpu.memory_space<vmem>> -> memref<1x128xi32, #tpu.memory_space<vmem>>
    %dma_start3A_34 = tpu.memref_squeeze %dma_start3A_33 : memref<1x128xi32, #tpu.memory_space<vmem>> -> memref<128xi32, #tpu.memory_space<vmem>>
    %dma_start3A_35 = arith.constant 0 : i32
    %dma_start3A_36 = tpu.memref_slice %arg4[%add3A, %dma_start3A_24, %dma_start3A_35] : memref<32x80x128xi32, #tpu.memory_space<hbm>> -> memref<1x1x128xi32, #tpu.memory_space<hbm>>
    %dma_start3A_37 = tpu.memref_squeeze %dma_start3A_36 : memref<1x1x128xi32, #tpu.memory_space<hbm>> -> memref<128xi32, #tpu.memory_space<hbm>>
    tpu.enqueue_dma source(%dma_start3A_37 : memref<128xi32, #tpu.memory_space<hbm>>) target(%dma_start3A_34 : memref<128xi32, #tpu.memory_space<vmem>>) target_semaphore(%arg14 : memref<!tpu.dma_semaphore, #tpu.memory_space<semaphore_mem>>)
    %scan3A = arith.constant 0 : i32
    %scan3A_38 = arith.constant 0 : i32
    %scan3A_39 = arith.constant 40 : i32
    %scan3A_40 = arith.addi %scan3A_38, %scan3A_39 : i32
    %scan3A_41 = arith.constant 1 : i32
    scf.for %scan3A_51 = %scan3A_38 to %scan3A_40 step %scan3A_41  : i32 {
      %mul3A_52 = arith.constant 2 : i32
      %mul3A_53 = arith.muli %mul3A_52, %scan3A_51 : i32
      %add3A_54 = arith.constant 1 : i32
      %add3A_55 = arith.addi %mul3A_53, %add3A_54 : i32
      %dma_start3A_56 = arith.constant 0 : i32
      %dma_start3A_57 = arith.constant 0 : i32
      %dma_start3A_58 = tpu.memref_slice %arg10[%dma_start3A_56, %dma_start3A_57] : memref<128x128xf32, #tpu.memory_space<vmem>> -> memref<64x128xf32, #tpu.memory_space<vmem>>
      %dma_start3A_59 = arith.constant 0 : i32
      %dma_start3A_60 = tpu.memref_slice %arg7[%add3A_55, %dma_start3A_59] : memref<80x128xi32, #tpu.memory_space<vmem>> -> memref<1x64xi32, #tpu.memory_space<vmem>>
      %dma_start3A_61 = tpu.memref_squeeze %dma_start3A_60 : memref<1x64xi32, #tpu.memory_space<vmem>> -> memref<64xi32, #tpu.memory_space<vmem>>
      %dma_start3A_62 = arith.constant 0 : i32
      %dma_start3A_63 = arith.constant 0 : i32
      %dma_start3A_64 = tpu.memref_slice %arg2[%dma_start3A_62, %dma_start3A_63] : memref<10000x128xf32, #tpu.memory_space<hbm>> -> memref<10000x128xf32, #tpu.memory_space<hbm>>
      tpu.enqueue_indirect_dma source(%dma_start3A_64 : memref<10000x128xf32, #tpu.memory_space<hbm>>) target(%dma_start3A_58 : memref<64x128xf32, #tpu.memory_space<vmem>>) offsets(%dma_start3A_61 : memref<64xi32, #tpu.memory_space<vmem>>) semaphore(%arg13 : memref<!tpu.dma_semaphore, #tpu.memory_space<semaphore_mem>>)
      %dma_start3A_65 = arith.constant 64 : i32
      %dma_start3A_66 = arith.constant 0 : i32
      %dma_start3A_67 = tpu.memref_slice %arg10[%dma_start3A_65, %dma_start3A_66] : memref<128x128xf32, #tpu.memory_space<vmem>> -> memref<64x128xf32, #tpu.memory_space<vmem>>
      %dma_start3A_68 = arith.constant 64 : i32
      %dma_start3A_69 = tpu.memref_slice %arg7[%add3A_55, %dma_start3A_68] : memref<80x128xi32, #tpu.memory_space<vmem>> -> memref<1x64xi32, #tpu.memory_space<vmem>>
      %dma_start3A_70 = tpu.memref_squeeze %dma_start3A_69 : memref<1x64xi32, #tpu.memory_space<vmem>> -> memref<64xi32, #tpu.memory_space<vmem>>
      %dma_start3A_71 = arith.constant 0 : i32
      %dma_start3A_72 = arith.constant 0 : i32
      %dma_start3A_73 = tpu.memref_slice %arg2[%dma_start3A_71, %dma_start3A_72] : memref<10000x128xf32, #tpu.memory_space<hbm>> -> memref<10000x128xf32, #tpu.memory_space<hbm>>
      tpu.enqueue_indirect_dma source(%dma_start3A_73 : memref<10000x128xf32, #tpu.memory_space<hbm>>) target(%dma_start3A_67 : memref<64x128xf32, #tpu.memory_space<vmem>>) offsets(%dma_start3A_70 : memref<64xi32, #tpu.memory_space<vmem>>) semaphore(%arg13 : memref<!tpu.dma_semaphore, #tpu.memory_space<semaphore_mem>>)
      %dma_start3A_74 = arith.constant 1 : i32
      %dma_start3A_75 = arith.constant 0 : i32
      %dma_start3A_76 = tpu.memref_slice %arg8[%dma_start3A_74, %dma_start3A_75] : memref<2x128xi32, #tpu.memory_space<vmem>> -> memref<1x128xi32, #tpu.memory_space<vmem>>
      %dma_start3A_77 = tpu.memref_squeeze %dma_start3A_76 : memref<1x128xi32, #tpu.memory_space<vmem>> -> memref<128xi32, #tpu.memory_space<vmem>>
      %dma_start3A_78 = arith.constant 0 : i32
      %dma_start3A_79 = tpu.memref_slice %arg4[%add3A, %add3A_55, %dma_start3A_78] : memref<32x80x128xi32, #tpu.memory_space<hbm>> -> memref<1x1x128xi32, #tpu.memory_space<hbm>>
      %dma_start3A_80 = tpu.memref_squeeze %dma_start3A_79 : memref<1x1x128xi32, #tpu.memory_space<hbm>> -> memref<128xi32, #tpu.memory_space<hbm>>
      %dma_start3A_81 = arith.constant 0 : i32
      %dma_start3A_82 = tpu.memref_slice %arg8[%dma_start3A_74, %dma_start3A_81] : memref<2x128xi32, #tpu.memory_space<vmem>> -> memref<1x128xi32, #tpu.memory_space<vmem>>
      %dma_start3A_83 = tpu.memref_squeeze %dma_start3A_82 : memref<1x128xi32, #tpu.memory_space<vmem>> -> memref<128xi32, #tpu.memory_space<vmem>>
      %dma_start3A_84 = arith.constant 0 : i32
      %dma_start3A_85 = tpu.memref_slice %arg4[%add3A, %add3A_55, %dma_start3A_84] : memref<32x80x128xi32, #tpu.memory_space<hbm>> -> memref<1x1x128xi32, #tpu.memory_space<hbm>>
      %dma_start3A_86 = tpu.memref_squeeze %dma_start3A_85 : memref<1x1x128xi32, #tpu.memory_space<hbm>> -> memref<128xi32, #tpu.memory_space<hbm>>
      tpu.enqueue_dma source(%dma_start3A_86 : memref<128xi32, #tpu.memory_space<hbm>>) target(%dma_start3A_83 : memref<128xi32, #tpu.memory_space<vmem>>) target_semaphore(%arg15 : memref<!tpu.dma_semaphore, #tpu.memory_space<semaphore_mem>>)
      %dma_wait3A = arith.constant 0 : i32
      %dma_wait3A_87 = arith.constant 0 : i32
      %dma_wait3A_88 = tpu.memref_slice %arg9[%dma_wait3A, %dma_wait3A_87] : memref<128x128xf32, #tpu.memory_space<vmem>> -> memref<64x128xf32, #tpu.memory_space<vmem>>
      %dma_wait3A_89 = arith.constant 0 : i32
      %dma_wait3A_90 = tpu.memref_slice %arg7[%mul3A_53, %dma_wait3A_89] : memref<80x128xi32, #tpu.memory_space<vmem>> -> memref<1x64xi32, #tpu.memory_space<vmem>>
      %dma_wait3A_91 = tpu.memref_squeeze %dma_wait3A_90 : memref<1x64xi32, #tpu.memory_space<vmem>> -> memref<64xi32, #tpu.memory_space<vmem>>
      %dma_wait3A_92 = arith.constant 0 : i32
      %dma_wait3A_93 = arith.constant 0 : i32
      %dma_wait3A_94 = tpu.memref_slice %arg2[%dma_wait3A_92, %dma_wait3A_93] : memref<10000x128xf32, #tpu.memory_space<hbm>> -> memref<10000x128xf32, #tpu.memory_space<hbm>>
      tpu.wait_indirect_dma semaphore(%arg12 : memref<!tpu.dma_semaphore, #tpu.memory_space<semaphore_mem>>) src(%dma_wait3A_94 : memref<10000x128xf32, #tpu.memory_space<hbm>>) dst(%dma_wait3A_88 : memref<64x128xf32, #tpu.memory_space<vmem>>)
      %dma_wait3A_95 = arith.constant 64 : i32
      %dma_wait3A_96 = arith.constant 0 : i32
      %dma_wait3A_97 = tpu.memref_slice %arg9[%dma_wait3A_95, %dma_wait3A_96] : memref<128x128xf32, #tpu.memory_space<vmem>> -> memref<64x128xf32, #tpu.memory_space<vmem>>
      %dma_wait3A_98 = arith.constant 64 : i32
      %dma_wait3A_99 = tpu.memref_slice %arg7[%mul3A_53, %dma_wait3A_98] : memref<80x128xi32, #tpu.memory_space<vmem>> -> memref<1x64xi32, #tpu.memory_space<vmem>>
      %dma_wait3A_100 = tpu.memref_squeeze %dma_wait3A_99 : memref<1x64xi32, #tpu.memory_space<vmem>> -> memref<64xi32, #tpu.memory_space<vmem>>
      %dma_wait3A_101 = arith.constant 0 : i32
      %dma_wait3A_102 = arith.constant 0 : i32
      %dma_wait3A_103 = tpu.memref_slice %arg2[%dma_wait3A_101, %dma_wait3A_102] : memref<10000x128xf32, #tpu.memory_space<hbm>> -> memref<10000x128xf32, #tpu.memory_space<hbm>>
      tpu.wait_indirect_dma semaphore(%arg12 : memref<!tpu.dma_semaphore, #tpu.memory_space<semaphore_mem>>) src(%dma_wait3A_103 : memref<10000x128xf32, #tpu.memory_space<hbm>>) dst(%dma_wait3A_97 : memref<64x128xf32, #tpu.memory_space<vmem>>)
      %dma_wait3A_104 = arith.constant 0 : i32
      %dma_wait3A_105 = arith.constant 0 : i32
      %dma_wait3A_106 = tpu.memref_slice %arg8[%dma_wait3A_104, %dma_wait3A_105] : memref<2x128xi32, #tpu.memory_space<vmem>> -> memref<1x128xi32, #tpu.memory_space<vmem>>
      %dma_wait3A_107 = tpu.memref_squeeze %dma_wait3A_106 : memref<1x128xi32, #tpu.memory_space<vmem>> -> memref<128xi32, #tpu.memory_space<vmem>>
      %dma_wait3A_108 = arith.constant 0 : i32
      %dma_wait3A_109 = tpu.memref_slice %arg4[%add3A, %mul3A_53, %dma_wait3A_108] : memref<32x80x128xi32, #tpu.memory_space<hbm>> -> memref<1x1x128xi32, #tpu.memory_space<hbm>>
      %dma_wait3A_110 = tpu.memref_squeeze %dma_wait3A_109 : memref<1x1x128xi32, #tpu.memory_space<hbm>> -> memref<128xi32, #tpu.memory_space<hbm>>
      %dma_wait3A_111 = arith.constant 0 : i32
      %dma_wait3A_112 = tpu.memref_slice %arg8[%dma_wait3A_104, %dma_wait3A_111] : memref<2x128xi32, #tpu.memory_space<vmem>> -> memref<1x128xi32, #tpu.memory_space<vmem>>
      %dma_wait3A_113 = tpu.memref_squeeze %dma_wait3A_112 : memref<1x128xi32, #tpu.memory_space<vmem>> -> memref<128xi32, #tpu.memory_space<vmem>>
      %dma_wait3A_114 = arith.constant 0 : i32
      %dma_wait3A_115 = tpu.memref_slice %arg4[%add3A, %mul3A_53, %dma_wait3A_114] : memref<32x80x128xi32, #tpu.memory_space<hbm>> -> memref<1x1x128xi32, #tpu.memory_space<hbm>>
      %dma_wait3A_116 = tpu.memref_squeeze %dma_wait3A_115 : memref<1x1x128xi32, #tpu.memory_space<hbm>> -> memref<128xi32, #tpu.memory_space<hbm>>
      tpu.wait_dma2 semaphore(%arg14 : memref<!tpu.dma_semaphore, #tpu.memory_space<semaphore_mem>>) src(%dma_wait3A_116 : memref<128xi32, #tpu.memory_space<hbm>>) dst(%dma_wait3A_113 : memref<128xi32, #tpu.memory_space<vmem>>)
      %run_scoped3A = arith.constant 0 : i32
      "tpu.region"() ({
        %run_scoped3A_153 = tpu.sem_alloc : memref<!tpu.dma_semaphore, #tpu.memory_space<semaphore_mem>>
        %dma_start3A_154 = arith.constant 0 : i32
        %dma_start3A_155 = tpu.memref_slice %arg8[%run_scoped3A, %dma_start3A_154] : memref<2x128xi32, #tpu.memory_space<vmem>> -> memref<1x128xi32, #tpu.memory_space<vmem>>
        %dma_start3A_156 = tpu.memref_squeeze %dma_start3A_155 : memref<1x128xi32, #tpu.memory_space<vmem>> -> memref<128xi32, #tpu.memory_space<vmem>>
        %dma_start3A_157 = arith.constant 0 : i32
        %dma_start3A_158 = arith.constant 0 : i32
        %dma_start3A_159 = tpu.memref_slice %arg11[%dma_start3A_157, %dma_start3A_158] : memref<10112x128xf32, #tpu.memory_space<vmem_shared>> -> memref<10112x128xf32, #tpu.memory_space<vmem_shared>>
        tpu.enqueue_indirect_dma source(%arg9 : memref<128x128xf32, #tpu.memory_space<vmem>>) target(%dma_start3A_159 : memref<10112x128xf32, #tpu.memory_space<vmem_shared>>) offsets(%dma_start3A_156 : memref<128xi32, #tpu.memory_space<vmem>>) semaphore(%run_scoped3A_153 : memref<!tpu.dma_semaphore, #tpu.memory_space<semaphore_mem>>) {add = true}
        %dma_wait3A_160 = arith.constant 0 : i32
        %dma_wait3A_161 = tpu.memref_slice %arg8[%run_scoped3A, %dma_wait3A_160] : memref<2x128xi32, #tpu.memory_space<vmem>> -> memref<1x128xi32, #tpu.memory_space<vmem>>
        %dma_wait3A_162 = tpu.memref_squeeze %dma_wait3A_161 : memref<1x128xi32, #tpu.memory_space<vmem>> -> memref<128xi32, #tpu.memory_space<vmem>>
        %dma_wait3A_163 = arith.constant 0 : i32
        %dma_wait3A_164 = arith.constant 0 : i32
        %dma_wait3A_165 = tpu.memref_slice %arg11[%dma_wait3A_163, %dma_wait3A_164] : memref<10112x128xf32, #tpu.memory_space<vmem_shared>> -> memref<10112x128xf32, #tpu.memory_space<vmem_shared>>
        tpu.wait_indirect_dma semaphore(%run_scoped3A_153 : memref<!tpu.dma_semaphore, #tpu.memory_space<semaphore_mem>>) src(%arg9 : memref<128x128xf32, #tpu.memory_space<vmem>>) dst(%dma_wait3A_165 : memref<10112x128xf32, #tpu.memory_space<vmem_shared>>)
        tpu.yield
      }) : () -> ()
      %lt3A = arith.constant 39 : i32
      %lt3A_117 = arith.cmpi slt, %scan3A_51, %lt3A : i32
      %convert_element_type3A = arith.extui %lt3A_117 : i1 to i32
      %cond3A = arith.constant 0 : i32
      %cond3A_118 = arith.cmpi ne, %convert_element_type3A, %cond3A : i32
      scf.if %cond3A_118 {
        %add3A_153 = arith.constant 2 : i32
        %add3A_154 = arith.addi %mul3A_53, %add3A_153 : i32
        %dma_start3A_155 = arith.constant 0 : i32
        %dma_start3A_156 = arith.constant 0 : i32
        %dma_start3A_157 = tpu.memref_slice %arg9[%dma_start3A_155, %dma_start3A_156] : memref<128x128xf32, #tpu.memory_space<vmem>> -> memref<64x128xf32, #tpu.memory_space<vmem>>
        %dma_start3A_158 = arith.constant 0 : i32
        %dma_start3A_159 = tpu.memref_slice %arg7[%add3A_154, %dma_start3A_158] : memref<80x128xi32, #tpu.memory_space<vmem>> -> memref<1x64xi32, #tpu.memory_space<vmem>>
        %dma_start3A_160 = tpu.memref_squeeze %dma_start3A_159 : memref<1x64xi32, #tpu.memory_space<vmem>> -> memref<64xi32, #tpu.memory_space<vmem>>
        %dma_start3A_161 = arith.constant 0 : i32
        %dma_start3A_162 = arith.constant 0 : i32
        %dma_start3A_163 = tpu.memref_slice %arg2[%dma_start3A_161, %dma_start3A_162] : memref<10000x128xf32, #tpu.memory_space<hbm>> -> memref<10000x128xf32, #tpu.memory_space<hbm>>
        tpu.enqueue_indirect_dma source(%dma_start3A_163 : memref<10000x128xf32, #tpu.memory_space<hbm>>) target(%dma_start3A_157 : memref<64x128xf32, #tpu.memory_space<vmem>>) offsets(%dma_start3A_160 : memref<64xi32, #tpu.memory_space<vmem>>) semaphore(%arg12 : memref<!tpu.dma_semaphore, #tpu.memory_space<semaphore_mem>>)
        %dma_start3A_164 = arith.constant 64 : i32
        %dma_start3A_165 = arith.constant 0 : i32
        %dma_start3A_166 = tpu.memref_slice %arg9[%dma_start3A_164, %dma_start3A_165] : memref<128x128xf32, #tpu.memory_space<vmem>> -> memref<64x128xf32, #tpu.memory_space<vmem>>
        %dma_start3A_167 = arith.constant 64 : i32
        %dma_start3A_168 = tpu.memref_slice %arg7[%add3A_154, %dma_start3A_167] : memref<80x128xi32, #tpu.memory_space<vmem>> -> memref<1x64xi32, #tpu.memory_space<vmem>>
        %dma_start3A_169 = tpu.memref_squeeze %dma_start3A_168 : memref<1x64xi32, #tpu.memory_space<vmem>> -> memref<64xi32, #tpu.memory_space<vmem>>
        %dma_start3A_170 = arith.constant 0 : i32
        %dma_start3A_171 = arith.constant 0 : i32
        %dma_start3A_172 = tpu.memref_slice %arg2[%dma_start3A_170, %dma_start3A_171] : memref<10000x128xf32, #tpu.memory_space<hbm>> -> memref<10000x128xf32, #tpu.memory_space<hbm>>
        tpu.enqueue_indirect_dma source(%dma_start3A_172 : memref<10000x128xf32, #tpu.memory_space<hbm>>) target(%dma_start3A_166 : memref<64x128xf32, #tpu.memory_space<vmem>>) offsets(%dma_start3A_169 : memref<64xi32, #tpu.memory_space<vmem>>) semaphore(%arg12 : memref<!tpu.dma_semaphore, #tpu.memory_space<semaphore_mem>>)
        %dma_start3A_173 = arith.constant 0 : i32
        %dma_start3A_174 = arith.constant 0 : i32
        %dma_start3A_175 = tpu.memref_slice %arg8[%dma_start3A_173, %dma_start3A_174] : memref<2x128xi32, #tpu.memory_space<vmem>> -> memref<1x128xi32, #tpu.memory_space<vmem>>
        %dma_start3A_176 = tpu.memref_squeeze %dma_start3A_175 : memref<1x128xi32, #tpu.memory_space<vmem>> -> memref<128xi32, #tpu.memory_space<vmem>>
        %dma_start3A_177 = arith.constant 0 : i32
        %dma_start3A_178 = tpu.memref_slice %arg4[%add3A, %add3A_154, %dma_start3A_177] : memref<32x80x128xi32, #tpu.memory_space<hbm>> -> memref<1x1x128xi32, #tpu.memory_space<hbm>>
        %dma_start3A_179 = tpu.memref_squeeze %dma_start3A_178 : memref<1x1x128xi32, #tpu.memory_space<hbm>> -> memref<128xi32, #tpu.memory_space<hbm>>
        %dma_start3A_180 = arith.constant 0 : i32
        %dma_start3A_181 = tpu.memref_slice %arg8[%dma_start3A_173, %dma_start3A_180] : memref<2x128xi32, #tpu.memory_space<vmem>> -> memref<1x128xi32, #tpu.memory_space<vmem>>
        %dma_start3A_182 = tpu.memref_squeeze %dma_start3A_181 : memref<1x128xi32, #tpu.memory_space<vmem>> -> memref<128xi32, #tpu.memory_space<vmem>>
        %dma_start3A_183 = arith.constant 0 : i32
        %dma_start3A_184 = tpu.memref_slice %arg4[%add3A, %add3A_154, %dma_start3A_183] : memref<32x80x128xi32, #tpu.memory_space<hbm>> -> memref<1x1x128xi32, #tpu.memory_space<hbm>>
        %dma_start3A_185 = tpu.memref_squeeze %dma_start3A_184 : memref<1x1x128xi32, #tpu.memory_space<hbm>> -> memref<128xi32, #tpu.memory_space<hbm>>
        tpu.enqueue_dma source(%dma_start3A_185 : memref<128xi32, #tpu.memory_space<hbm>>) target(%dma_start3A_182 : memref<128xi32, #tpu.memory_space<vmem>>) target_semaphore(%arg14 : memref<!tpu.dma_semaphore, #tpu.memory_space<semaphore_mem>>)
      } else {
      }
      %add3A_119 = arith.constant 1 : i32
      %add3A_120 = arith.addi %mul3A_53, %add3A_119 : i32
      %dma_wait3A_121 = arith.constant 0 : i32
      %dma_wait3A_122 = arith.constant 0 : i32
      %dma_wait3A_123 = tpu.memref_slice %arg10[%dma_wait3A_121, %dma_wait3A_122] : memref<128x128xf32, #tpu.memory_space<vmem>> -> memref<64x128xf32, #tpu.memory_space<vmem>>
      %dma_wait3A_124 = arith.constant 0 : i32
      %dma_wait3A_125 = tpu.memref_slice %arg7[%add3A_120, %dma_wait3A_124] : memref<80x128xi32, #tpu.memory_space<vmem>> -> memref<1x64xi32, #tpu.memory_space<vmem>>
      %dma_wait3A_126 = tpu.memref_squeeze %dma_wait3A_125 : memref<1x64xi32, #tpu.memory_space<vmem>> -> memref<64xi32, #tpu.memory_space<vmem>>
      %dma_wait3A_127 = arith.constant 0 : i32
      %dma_wait3A_128 = arith.constant 0 : i32
      %dma_wait3A_129 = tpu.memref_slice %arg2[%dma_wait3A_127, %dma_wait3A_128] : memref<10000x128xf32, #tpu.memory_space<hbm>> -> memref<10000x128xf32, #tpu.memory_space<hbm>>
      tpu.wait_indirect_dma semaphore(%arg13 : memref<!tpu.dma_semaphore, #tpu.memory_space<semaphore_mem>>) src(%dma_wait3A_129 : memref<10000x128xf32, #tpu.memory_space<hbm>>) dst(%dma_wait3A_123 : memref<64x128xf32, #tpu.memory_space<vmem>>)
      %dma_wait3A_130 = arith.constant 64 : i32
      %dma_wait3A_131 = arith.constant 0 : i32
      %dma_wait3A_132 = tpu.memref_slice %arg10[%dma_wait3A_130, %dma_wait3A_131] : memref<128x128xf32, #tpu.memory_space<vmem>> -> memref<64x128xf32, #tpu.memory_space<vmem>>
      %dma_wait3A_133 = arith.constant 64 : i32
      %dma_wait3A_134 = tpu.memref_slice %arg7[%add3A_120, %dma_wait3A_133] : memref<80x128xi32, #tpu.memory_space<vmem>> -> memref<1x64xi32, #tpu.memory_space<vmem>>
      %dma_wait3A_135 = tpu.memref_squeeze %dma_wait3A_134 : memref<1x64xi32, #tpu.memory_space<vmem>> -> memref<64xi32, #tpu.memory_space<vmem>>
      %dma_wait3A_136 = arith.constant 0 : i32
      %dma_wait3A_137 = arith.constant 0 : i32
      %dma_wait3A_138 = tpu.memref_slice %arg2[%dma_wait3A_136, %dma_wait3A_137] : memref<10000x128xf32, #tpu.memory_space<hbm>> -> memref<10000x128xf32, #tpu.memory_space<hbm>>
      tpu.wait_indirect_dma semaphore(%arg13 : memref<!tpu.dma_semaphore, #tpu.memory_space<semaphore_mem>>) src(%dma_wait3A_138 : memref<10000x128xf32, #tpu.memory_space<hbm>>) dst(%dma_wait3A_132 : memref<64x128xf32, #tpu.memory_space<vmem>>)
      %dma_wait3A_139 = arith.constant 1 : i32
      %dma_wait3A_140 = arith.constant 0 : i32
      %dma_wait3A_141 = tpu.memref_slice %arg8[%dma_wait3A_139, %dma_wait3A_140] : memref<2x128xi32, #tpu.memory_space<vmem>> -> memref<1x128xi32, #tpu.memory_space<vmem>>
      %dma_wait3A_142 = tpu.memref_squeeze %dma_wait3A_141 : memref<1x128xi32, #tpu.memory_space<vmem>> -> memref<128xi32, #tpu.memory_space<vmem>>
      %dma_wait3A_143 = arith.constant 0 : i32
      %dma_wait3A_144 = tpu.memref_slice %arg4[%add3A, %add3A_120, %dma_wait3A_143] : memref<32x80x128xi32, #tpu.memory_space<hbm>> -> memref<1x1x128xi32, #tpu.memory_space<hbm>>
      %dma_wait3A_145 = tpu.memref_squeeze %dma_wait3A_144 : memref<1x1x128xi32, #tpu.memory_space<hbm>> -> memref<128xi32, #tpu.memory_space<hbm>>
      %dma_wait3A_146 = arith.constant 0 : i32
      %dma_wait3A_147 = tpu.memref_slice %arg8[%dma_wait3A_139, %dma_wait3A_146] : memref<2x128xi32, #tpu.memory_space<vmem>> -> memref<1x128xi32, #tpu.memory_space<vmem>>
      %dma_wait3A_148 = tpu.memref_squeeze %dma_wait3A_147 : memref<1x128xi32, #tpu.memory_space<vmem>> -> memref<128xi32, #tpu.memory_space<vmem>>
      %dma_wait3A_149 = arith.constant 0 : i32
      %dma_wait3A_150 = tpu.memref_slice %arg4[%add3A, %add3A_120, %dma_wait3A_149] : memref<32x80x128xi32, #tpu.memory_space<hbm>> -> memref<1x1x128xi32, #tpu.memory_space<hbm>>
      %dma_wait3A_151 = tpu.memref_squeeze %dma_wait3A_150 : memref<1x1x128xi32, #tpu.memory_space<hbm>> -> memref<128xi32, #tpu.memory_space<hbm>>
      tpu.wait_dma2 semaphore(%arg15 : memref<!tpu.dma_semaphore, #tpu.memory_space<semaphore_mem>>) src(%dma_wait3A_151 : memref<128xi32, #tpu.memory_space<hbm>>) dst(%dma_wait3A_148 : memref<128xi32, #tpu.memory_space<vmem>>)
      %run_scoped3A_152 = arith.constant 1 : i32
      "tpu.region"() ({
        %run_scoped3A_153 = tpu.sem_alloc : memref<!tpu.dma_semaphore, #tpu.memory_space<semaphore_mem>>
        %dma_start3A_154 = arith.constant 0 : i32
        %dma_start3A_155 = tpu.memref_slice %arg8[%run_scoped3A_152, %dma_start3A_154] : memref<2x128xi32, #tpu.memory_space<vmem>> -> memref<1x128xi32, #tpu.memory_space<vmem>>
        %dma_start3A_156 = tpu.memref_squeeze %dma_start3A_155 : memref<1x128xi32, #tpu.memory_space<vmem>> -> memref<128xi32, #tpu.memory_space<vmem>>
        %dma_start3A_157 = arith.constant 0 : i32
        %dma_start3A_158 = arith.constant 0 : i32
        %dma_start3A_159 = tpu.memref_slice %arg11[%dma_start3A_157, %dma_start3A_158] : memref<10112x128xf32, #tpu.memory_space<vmem_shared>> -> memref<10112x128xf32, #tpu.memory_space<vmem_shared>>
        tpu.enqueue_indirect_dma source(%arg10 : memref<128x128xf32, #tpu.memory_space<vmem>>) target(%dma_start3A_159 : memref<10112x128xf32, #tpu.memory_space<vmem_shared>>) offsets(%dma_start3A_156 : memref<128xi32, #tpu.memory_space<vmem>>) semaphore(%run_scoped3A_153 : memref<!tpu.dma_semaphore, #tpu.memory_space<semaphore_mem>>) {add = true}
        %dma_wait3A_160 = arith.constant 0 : i32
        %dma_wait3A_161 = tpu.memref_slice %arg8[%run_scoped3A_152, %dma_wait3A_160] : memref<2x128xi32, #tpu.memory_space<vmem>> -> memref<1x128xi32, #tpu.memory_space<vmem>>
        %dma_wait3A_162 = tpu.memref_squeeze %dma_wait3A_161 : memref<1x128xi32, #tpu.memory_space<vmem>> -> memref<128xi32, #tpu.memory_space<vmem>>
        %dma_wait3A_163 = arith.constant 0 : i32
        %dma_wait3A_164 = arith.constant 0 : i32
        %dma_wait3A_165 = tpu.memref_slice %arg11[%dma_wait3A_163, %dma_wait3A_164] : memref<10112x128xf32, #tpu.memory_space<vmem_shared>> -> memref<10112x128xf32, #tpu.memory_space<vmem_shared>>
        tpu.wait_indirect_dma semaphore(%run_scoped3A_153 : memref<!tpu.dma_semaphore, #tpu.memory_space<semaphore_mem>>) src(%arg10 : memref<128x128xf32, #tpu.memory_space<vmem>>) dst(%dma_wait3A_165 : memref<10112x128xf32, #tpu.memory_space<vmem_shared>>)
        tpu.yield
      }) : () -> ()
    }
    %scan3A_42 = arith.constant 40 : i32
    %barrier3A_43 = arith.constant 0 : index
    tpu.barrier barrier_id(%barrier3A_43)
    %mul3A_44 = arith.constant 632 : i32
    %mul3A_45 = arith.muli %arg1, %mul3A_44 : i32
    %mul3A_46 = arith.constant 10112 : i32
    %mul3A_47 = arith.muli %arg0, %mul3A_46 : i32
    %mul3A_48 = arith.constant 632 : i32
    %mul3A_49 = arith.muli %arg1, %mul3A_48 : i32
    %add3A_50 = arith.addi %mul3A_47, %mul3A_49 : i32
    "tpu.region"() ({
      %run_scoped3A = tpu.sem_alloc : memref<!tpu.dma_semaphore, #tpu.memory_space<semaphore_mem>>
      %dma_start3A_51 = arith.constant 0 : i32
      %dma_start3A_52 = tpu.memref_slice %arg6[%add3A_50, %dma_start3A_51] : memref<20224x128xf32, #tpu.memory_space<hbm>> -> memref<632x128xf32, #tpu.memory_space<hbm>>
      %dma_start3A_53 = arith.constant 0 : i32
      %dma_start3A_54 = tpu.memref_slice %arg11[%mul3A_45, %dma_start3A_53] : memref<10112x128xf32, #tpu.memory_space<vmem_shared>> -> memref<632x128xf32, #tpu.memory_space<vmem_shared>>
      tpu.enqueue_dma source(%dma_start3A_54 : memref<632x128xf32, #tpu.memory_space<vmem_shared>>) target(%dma_start3A_52 : memref<632x128xf32, #tpu.memory_space<hbm>>) target_semaphore(%run_scoped3A : memref<!tpu.dma_semaphore, #tpu.memory_space<semaphore_mem>>)
      %dma_wait3A = arith.constant 0 : i32
      %dma_wait3A_55 = tpu.memref_slice %arg6[%add3A_50, %dma_wait3A] : memref<20224x128xf32, #tpu.memory_space<hbm>> -> memref<632x128xf32, #tpu.memory_space<hbm>>
      %dma_wait3A_56 = arith.constant 0 : i32
      %dma_wait3A_57 = tpu.memref_slice %arg11[%mul3A_45, %dma_wait3A_56] : memref<10112x128xf32, #tpu.memory_space<vmem_shared>> -> memref<632x128xf32, #tpu.memory_space<vmem_shared>>
      tpu.wait_dma2 semaphore(%run_scoped3A : memref<!tpu.dma_semaphore, #tpu.memory_space<semaphore_mem>>) src(%dma_wait3A_57 : memref<632x128xf32, #tpu.memory_space<vmem_shared>>) dst(%dma_wait3A_55 : memref<632x128xf32, #tpu.memory_space<hbm>>)
      tpu.yield
    }) : () -> ()
    return
  }
}

#map = affine_map<(d0, d1) -> (0, 0)>
#map1 = affine_map<(d0, d1) -> (0, 0, 0)>
module attributes {stable_mosaic.version = 14 : i64} {
  func.func @_sc_edge_agg_body(%arg0: i32, %arg1: i32, %arg2: memref<10000x128xf32, #tpu.memory_space<hbm>>, %arg3: memref<32x80x128xi32, #tpu.memory_space<hbm>>, %arg4: memref<32x80x128xi32, #tpu.memory_space<hbm>>, %arg5: memref<10112x128xf32, #tpu.memory_space<hbm>>, %arg6: memref<20224x128xf32, #tpu.memory_space<hbm>>, %arg7: memref<80x128xi32, #tpu.memory_space<vmem>>, %arg8: memref<2x128xi32, #tpu.memory_space<vmem>>, %arg9: memref<128x128xf32, #tpu.memory_space<vmem>>, %arg10: memref<128x128xf32, #tpu.memory_space<vmem>>, %arg11: memref<10112x128xf32, #tpu.memory_space<vmem_shared>>, %arg12: memref<!tpu.dma_semaphore, #tpu.memory_space<semaphore_mem>>, %arg13: memref<!tpu.dma_semaphore, #tpu.memory_space<semaphore_mem>>, %arg14: memref<!tpu.dma_semaphore, #tpu.memory_space<semaphore_mem>>, %arg15: memref<!tpu.dma_semaphore, #tpu.memory_space<semaphore_mem>>) attributes {dimension_semantics = [#tpu.dimension_semantics<core_parallel>, #tpu.dimension_semantics<subcore_parallel>], iteration_bounds = array<i64: 2, 16>, scalar_prefetch = 0 : i64, scratch_operands = 9 : i64, tpu.core_type = #tpu.core_type<sc_vector_subcore>, window_params = [{transform_indices = #map}, {transform_indices = #map1}, {transform_indices = #map1}, {transform_indices = #map}, {transform_indices = #map}]} {
    %mul3A = arith.constant 16 : i32
    %mul3A_0 = arith.muli %arg0, %mul3A : i32
    %add3A = arith.addi %mul3A_0, %arg1 : i32
    "tpu.region"() ({
      %run_scoped3A = tpu.sem_alloc : memref<!tpu.dma_semaphore, #tpu.memory_space<semaphore_mem>>
      %dma_start3A_51 = arith.constant 0 : i32
      %dma_start3A_52 = arith.constant 0 : i32
      %dma_start3A_53 = tpu.memref_slice %arg3[%add3A, %dma_start3A_51, %dma_start3A_52] : memref<32x80x128xi32, #tpu.memory_space<hbm>> -> memref<1x80x128xi32, #tpu.memory_space<hbm>>
      %dma_start3A_54 = tpu.memref_squeeze %dma_start3A_53 : memref<1x80x128xi32, #tpu.memory_space<hbm>> -> memref<80x128xi32, #tpu.memory_space<hbm>>
      %dma_start3A_55 = arith.constant 0 : i32
      %dma_start3A_56 = arith.constant 0 : i32
      %dma_start3A_57 = tpu.memref_slice %arg3[%add3A, %dma_start3A_55, %dma_start3A_56] : memref<32x80x128xi32, #tpu.memory_space<hbm>> -> memref<1x80x128xi32, #tpu.memory_space<hbm>>
      %dma_start3A_58 = tpu.memref_squeeze %dma_start3A_57 : memref<1x80x128xi32, #tpu.memory_space<hbm>> -> memref<80x128xi32, #tpu.memory_space<hbm>>
      tpu.enqueue_dma source(%dma_start3A_58 : memref<80x128xi32, #tpu.memory_space<hbm>>) target(%arg7 : memref<80x128xi32, #tpu.memory_space<vmem>>) target_semaphore(%run_scoped3A : memref<!tpu.dma_semaphore, #tpu.memory_space<semaphore_mem>>)
      %dma_wait3A = arith.constant 0 : i32
      %dma_wait3A_59 = arith.constant 0 : i32
      %dma_wait3A_60 = tpu.memref_slice %arg3[%add3A, %dma_wait3A, %dma_wait3A_59] : memref<32x80x128xi32, #tpu.memory_space<hbm>> -> memref<1x80x128xi32, #tpu.memory_space<hbm>>
      %dma_wait3A_61 = tpu.memref_squeeze %dma_wait3A_60 : memref<1x80x128xi32, #tpu.memory_space<hbm>> -> memref<80x128xi32, #tpu.memory_space<hbm>>
      %dma_wait3A_62 = arith.constant 0 : i32
      %dma_wait3A_63 = arith.constant 0 : i32
      %dma_wait3A_64 = tpu.memref_slice %arg3[%add3A, %dma_wait3A_62, %dma_wait3A_63] : memref<32x80x128xi32, #tpu.memory_space<hbm>> -> memref<1x80x128xi32, #tpu.memory_space<hbm>>
      %dma_wait3A_65 = tpu.memref_squeeze %dma_wait3A_64 : memref<1x80x128xi32, #tpu.memory_space<hbm>> -> memref<80x128xi32, #tpu.memory_space<hbm>>
      tpu.wait_dma2 semaphore(%run_scoped3A : memref<!tpu.dma_semaphore, #tpu.memory_space<semaphore_mem>>) src(%dma_wait3A_65 : memref<80x128xi32, #tpu.memory_space<hbm>>) dst(%arg7 : memref<80x128xi32, #tpu.memory_space<vmem>>)
      tpu.yield
    }) : () -> ()
    %mul3A_1 = arith.constant 632 : i32
    %mul3A_2 = arith.muli %arg1, %mul3A_1 : i32
    %mul3A_3 = arith.constant 632 : i32
    %mul3A_4 = arith.muli %arg1, %mul3A_3 : i32
    "tpu.region"() ({
      %run_scoped3A = tpu.sem_alloc : memref<!tpu.dma_semaphore, #tpu.memory_space<semaphore_mem>>
      %dma_start3A_51 = arith.constant 0 : i32
      %dma_start3A_52 = tpu.memref_slice %arg11[%mul3A_4, %dma_start3A_51] : memref<10112x128xf32, #tpu.memory_space<vmem_shared>> -> memref<632x128xf32, #tpu.memory_space<vmem_shared>>
      %dma_start3A_53 = arith.constant 0 : i32
      %dma_start3A_54 = tpu.memref_slice %arg5[%mul3A_2, %dma_start3A_53] : memref<10112x128xf32, #tpu.memory_space<hbm>> -> memref<632x128xf32, #tpu.memory_space<hbm>>
      tpu.enqueue_dma source(%dma_start3A_54 : memref<632x128xf32, #tpu.memory_space<hbm>>) target(%dma_start3A_52 : memref<632x128xf32, #tpu.memory_space<vmem_shared>>) target_semaphore(%run_scoped3A : memref<!tpu.dma_semaphore, #tpu.memory_space<semaphore_mem>>)
      %dma_wait3A = arith.constant 0 : i32
      %dma_wait3A_55 = tpu.memref_slice %arg11[%mul3A_4, %dma_wait3A] : memref<10112x128xf32, #tpu.memory_space<vmem_shared>> -> memref<632x128xf32, #tpu.memory_space<vmem_shared>>
      %dma_wait3A_56 = arith.constant 0 : i32
      %dma_wait3A_57 = tpu.memref_slice %arg5[%mul3A_2, %dma_wait3A_56] : memref<10112x128xf32, #tpu.memory_space<hbm>> -> memref<632x128xf32, #tpu.memory_space<hbm>>
      tpu.wait_dma2 semaphore(%run_scoped3A : memref<!tpu.dma_semaphore, #tpu.memory_space<semaphore_mem>>) src(%dma_wait3A_57 : memref<632x128xf32, #tpu.memory_space<hbm>>) dst(%dma_wait3A_55 : memref<632x128xf32, #tpu.memory_space<vmem_shared>>)
      tpu.yield
    }) : () -> ()
    %barrier3A = arith.constant 0 : index
    tpu.barrier barrier_id(%barrier3A)
    %dma_start3A = arith.constant 0 : i32
    %dma_start3A_5 = arith.constant 0 : i32
    %dma_start3A_6 = arith.constant 0 : i32
    %dma_start3A_7 = tpu.memref_slice %arg9[%dma_start3A_5, %dma_start3A_6] : memref<128x128xf32, #tpu.memory_space<vmem>> -> memref<64x128xf32, #tpu.memory_space<vmem>>
    %dma_start3A_8 = arith.constant 0 : i32
    %dma_start3A_9 = tpu.memref_slice %arg7[%dma_start3A, %dma_start3A_8] : memref<80x128xi32, #tpu.memory_space<vmem>> -> memref<1x64xi32, #tpu.memory_space<vmem>>
    %dma_start3A_10 = tpu.memref_squeeze %dma_start3A_9 : memref<1x64xi32, #tpu.memory_space<vmem>> -> memref<64xi32, #tpu.memory_space<vmem>>
    %dma_start3A_11 = arith.constant 0 : i32
    %dma_start3A_12 = arith.constant 0 : i32
    %dma_start3A_13 = tpu.memref_slice %arg2[%dma_start3A_11, %dma_start3A_12] : memref<10000x128xf32, #tpu.memory_space<hbm>> -> memref<10000x128xf32, #tpu.memory_space<hbm>>
    tpu.enqueue_indirect_dma source(%dma_start3A_13 : memref<10000x128xf32, #tpu.memory_space<hbm>>) target(%dma_start3A_7 : memref<64x128xf32, #tpu.memory_space<vmem>>) offsets(%dma_start3A_10 : memref<64xi32, #tpu.memory_space<vmem>>) semaphore(%arg12 : memref<!tpu.dma_semaphore, #tpu.memory_space<semaphore_mem>>)
    %dma_start3A_14 = arith.constant 0 : i32
    %dma_start3A_15 = arith.constant 64 : i32
    %dma_start3A_16 = arith.constant 0 : i32
    %dma_start3A_17 = tpu.memref_slice %arg9[%dma_start3A_15, %dma_start3A_16] : memref<128x128xf32, #tpu.memory_space<vmem>> -> memref<64x128xf32, #tpu.memory_space<vmem>>
    %dma_start3A_18 = arith.constant 64 : i32
    %dma_start3A_19 = tpu.memref_slice %arg7[%dma_start3A_14, %dma_start3A_18] : memref<80x128xi32, #tpu.memory_space<vmem>> -> memref<1x64xi32, #tpu.memory_space<vmem>>
    %dma_start3A_20 = tpu.memref_squeeze %dma_start3A_19 : memref<1x64xi32, #tpu.memory_space<vmem>> -> memref<64xi32, #tpu.memory_space<vmem>>
    %dma_start3A_21 = arith.constant 0 : i32
    %dma_start3A_22 = arith.constant 0 : i32
    %dma_start3A_23 = tpu.memref_slice %arg2[%dma_start3A_21, %dma_start3A_22] : memref<10000x128xf32, #tpu.memory_space<hbm>> -> memref<10000x128xf32, #tpu.memory_space<hbm>>
    tpu.enqueue_indirect_dma source(%dma_start3A_23 : memref<10000x128xf32, #tpu.memory_space<hbm>>) target(%dma_start3A_17 : memref<64x128xf32, #tpu.memory_space<vmem>>) offsets(%dma_start3A_20 : memref<64xi32, #tpu.memory_space<vmem>>) semaphore(%arg12 : memref<!tpu.dma_semaphore, #tpu.memory_space<semaphore_mem>>)
    %dma_start3A_24 = arith.constant 0 : i32
    %dma_start3A_25 = arith.constant 0 : i32
    %dma_start3A_26 = arith.constant 0 : i32
    %dma_start3A_27 = tpu.memref_slice %arg8[%dma_start3A_25, %dma_start3A_26] : memref<2x128xi32, #tpu.memory_space<vmem>> -> memref<1x128xi32, #tpu.memory_space<vmem>>
    %dma_start3A_28 = tpu.memref_squeeze %dma_start3A_27 : memref<1x128xi32, #tpu.memory_space<vmem>> -> memref<128xi32, #tpu.memory_space<vmem>>
    %dma_start3A_29 = arith.constant 0 : i32
    %dma_start3A_30 = tpu.memref_slice %arg4[%add3A, %dma_start3A_24, %dma_start3A_29] : memref<32x80x128xi32, #tpu.memory_space<hbm>> -> memref<1x1x128xi32, #tpu.memory_space<hbm>>
    %dma_start3A_31 = tpu.memref_squeeze %dma_start3A_30 : memref<1x1x128xi32, #tpu.memory_space<hbm>> -> memref<128xi32, #tpu.memory_space<hbm>>
    %dma_start3A_32 = arith.constant 0 : i32
    %dma_start3A_33 = tpu.memref_slice %arg8[%dma_start3A_25, %dma_start3A_32] : memref<2x128xi32, #tpu.memory_space<vmem>> -> memref<1x128xi32, #tpu.memory_space<vmem>>
    %dma_start3A_34 = tpu.memref_squeeze %dma_start3A_33 : memref<1x128xi32, #tpu.memory_space<vmem>> -> memref<128xi32, #tpu.memory_space<vmem>>
    %dma_start3A_35 = arith.constant 0 : i32
    %dma_start3A_36 = tpu.memref_slice %arg4[%add3A, %dma_start3A_24, %dma_start3A_35] : memref<32x80x128xi32, #tpu.memory_space<hbm>> -> memref<1x1x128xi32, #tpu.memory_space<hbm>>
    %dma_start3A_37 = tpu.memref_squeeze %dma_start3A_36 : memref<1x1x128xi32, #tpu.memory_space<hbm>> -> memref<128xi32, #tpu.memory_space<hbm>>
    tpu.enqueue_dma source(%dma_start3A_37 : memref<128xi32, #tpu.memory_space<hbm>>) target(%dma_start3A_34 : memref<128xi32, #tpu.memory_space<vmem>>) target_semaphore(%arg14 : memref<!tpu.dma_semaphore, #tpu.memory_space<semaphore_mem>>)
    %scan3A = arith.constant 0 : i32
    %scan3A_38 = arith.constant 0 : i32
    %scan3A_39 = arith.constant 40 : i32
    %scan3A_40 = arith.addi %scan3A_38, %scan3A_39 : i32
    %scan3A_41 = arith.constant 1 : i32
    scf.for %scan3A_51 = %scan3A_38 to %scan3A_40 step %scan3A_41  : i32 {
      %mul3A_52 = arith.constant 2 : i32
      %mul3A_53 = arith.muli %mul3A_52, %scan3A_51 : i32
      %add3A_54 = arith.constant 1 : i32
      %add3A_55 = arith.addi %mul3A_53, %add3A_54 : i32
      %dma_start3A_56 = arith.constant 0 : i32
      %dma_start3A_57 = arith.constant 0 : i32
      %dma_start3A_58 = tpu.memref_slice %arg10[%dma_start3A_56, %dma_start3A_57] : memref<128x128xf32, #tpu.memory_space<vmem>> -> memref<64x128xf32, #tpu.memory_space<vmem>>
      %dma_start3A_59 = arith.constant 0 : i32
      %dma_start3A_60 = tpu.memref_slice %arg7[%add3A_55, %dma_start3A_59] : memref<80x128xi32, #tpu.memory_space<vmem>> -> memref<1x64xi32, #tpu.memory_space<vmem>>
      %dma_start3A_61 = tpu.memref_squeeze %dma_start3A_60 : memref<1x64xi32, #tpu.memory_space<vmem>> -> memref<64xi32, #tpu.memory_space<vmem>>
      %dma_start3A_62 = arith.constant 0 : i32
      %dma_start3A_63 = arith.constant 0 : i32
      %dma_start3A_64 = tpu.memref_slice %arg2[%dma_start3A_62, %dma_start3A_63] : memref<10000x128xf32, #tpu.memory_space<hbm>> -> memref<10000x128xf32, #tpu.memory_space<hbm>>
      tpu.enqueue_indirect_dma source(%dma_start3A_64 : memref<10000x128xf32, #tpu.memory_space<hbm>>) target(%dma_start3A_58 : memref<64x128xf32, #tpu.memory_space<vmem>>) offsets(%dma_start3A_61 : memref<64xi32, #tpu.memory_space<vmem>>) semaphore(%arg13 : memref<!tpu.dma_semaphore, #tpu.memory_space<semaphore_mem>>)
      %dma_start3A_65 = arith.constant 64 : i32
      %dma_start3A_66 = arith.constant 0 : i32
      %dma_start3A_67 = tpu.memref_slice %arg10[%dma_start3A_65, %dma_start3A_66] : memref<128x128xf32, #tpu.memory_space<vmem>> -> memref<64x128xf32, #tpu.memory_space<vmem>>
      %dma_start3A_68 = arith.constant 64 : i32
      %dma_start3A_69 = tpu.memref_slice %arg7[%add3A_55, %dma_start3A_68] : memref<80x128xi32, #tpu.memory_space<vmem>> -> memref<1x64xi32, #tpu.memory_space<vmem>>
      %dma_start3A_70 = tpu.memref_squeeze %dma_start3A_69 : memref<1x64xi32, #tpu.memory_space<vmem>> -> memref<64xi32, #tpu.memory_space<vmem>>
      %dma_start3A_71 = arith.constant 0 : i32
      %dma_start3A_72 = arith.constant 0 : i32
      %dma_start3A_73 = tpu.memref_slice %arg2[%dma_start3A_71, %dma_start3A_72] : memref<10000x128xf32, #tpu.memory_space<hbm>> -> memref<10000x128xf32, #tpu.memory_space<hbm>>
      tpu.enqueue_indirect_dma source(%dma_start3A_73 : memref<10000x128xf32, #tpu.memory_space<hbm>>) target(%dma_start3A_67 : memref<64x128xf32, #tpu.memory_space<vmem>>) offsets(%dma_start3A_70 : memref<64xi32, #tpu.memory_space<vmem>>) semaphore(%arg13 : memref<!tpu.dma_semaphore, #tpu.memory_space<semaphore_mem>>)
      %dma_start3A_74 = arith.constant 1 : i32
      %dma_start3A_75 = arith.constant 0 : i32
      %dma_start3A_76 = tpu.memref_slice %arg8[%dma_start3A_74, %dma_start3A_75] : memref<2x128xi32, #tpu.memory_space<vmem>> -> memref<1x128xi32, #tpu.memory_space<vmem>>
      %dma_start3A_77 = tpu.memref_squeeze %dma_start3A_76 : memref<1x128xi32, #tpu.memory_space<vmem>> -> memref<128xi32, #tpu.memory_space<vmem>>
      %dma_start3A_78 = arith.constant 0 : i32
      %dma_start3A_79 = tpu.memref_slice %arg4[%add3A, %add3A_55, %dma_start3A_78] : memref<32x80x128xi32, #tpu.memory_space<hbm>> -> memref<1x1x128xi32, #tpu.memory_space<hbm>>
      %dma_start3A_80 = tpu.memref_squeeze %dma_start3A_79 : memref<1x1x128xi32, #tpu.memory_space<hbm>> -> memref<128xi32, #tpu.memory_space<hbm>>
      %dma_start3A_81 = arith.constant 0 : i32
      %dma_start3A_82 = tpu.memref_slice %arg8[%dma_start3A_74, %dma_start3A_81] : memref<2x128xi32, #tpu.memory_space<vmem>> -> memref<1x128xi32, #tpu.memory_space<vmem>>
      %dma_start3A_83 = tpu.memref_squeeze %dma_start3A_82 : memref<1x128xi32, #tpu.memory_space<vmem>> -> memref<128xi32, #tpu.memory_space<vmem>>
      %dma_start3A_84 = arith.constant 0 : i32
      %dma_start3A_85 = tpu.memref_slice %arg4[%add3A, %add3A_55, %dma_start3A_84] : memref<32x80x128xi32, #tpu.memory_space<hbm>> -> memref<1x1x128xi32, #tpu.memory_space<hbm>>
      %dma_start3A_86 = tpu.memref_squeeze %dma_start3A_85 : memref<1x1x128xi32, #tpu.memory_space<hbm>> -> memref<128xi32, #tpu.memory_space<hbm>>
      tpu.enqueue_dma source(%dma_start3A_86 : memref<128xi32, #tpu.memory_space<hbm>>) target(%dma_start3A_83 : memref<128xi32, #tpu.memory_space<vmem>>) target_semaphore(%arg15 : memref<!tpu.dma_semaphore, #tpu.memory_space<semaphore_mem>>)
      %dma_wait3A = arith.constant 0 : i32
      %dma_wait3A_87 = arith.constant 0 : i32
      %dma_wait3A_88 = tpu.memref_slice %arg9[%dma_wait3A, %dma_wait3A_87] : memref<128x128xf32, #tpu.memory_space<vmem>> -> memref<64x128xf32, #tpu.memory_space<vmem>>
      %dma_wait3A_89 = arith.constant 0 : i32
      %dma_wait3A_90 = tpu.memref_slice %arg7[%mul3A_53, %dma_wait3A_89] : memref<80x128xi32, #tpu.memory_space<vmem>> -> memref<1x64xi32, #tpu.memory_space<vmem>>
      %dma_wait3A_91 = tpu.memref_squeeze %dma_wait3A_90 : memref<1x64xi32, #tpu.memory_space<vmem>> -> memref<64xi32, #tpu.memory_space<vmem>>
      %dma_wait3A_92 = arith.constant 0 : i32
      %dma_wait3A_93 = arith.constant 0 : i32
      %dma_wait3A_94 = tpu.memref_slice %arg2[%dma_wait3A_92, %dma_wait3A_93] : memref<10000x128xf32, #tpu.memory_space<hbm>> -> memref<10000x128xf32, #tpu.memory_space<hbm>>
      tpu.wait_indirect_dma semaphore(%arg12 : memref<!tpu.dma_semaphore, #tpu.memory_space<semaphore_mem>>) src(%dma_wait3A_94 : memref<10000x128xf32, #tpu.memory_space<hbm>>) dst(%dma_wait3A_88 : memref<64x128xf32, #tpu.memory_space<vmem>>)
      %dma_wait3A_95 = arith.constant 64 : i32
      %dma_wait3A_96 = arith.constant 0 : i32
      %dma_wait3A_97 = tpu.memref_slice %arg9[%dma_wait3A_95, %dma_wait3A_96] : memref<128x128xf32, #tpu.memory_space<vmem>> -> memref<64x128xf32, #tpu.memory_space<vmem>>
      %dma_wait3A_98 = arith.constant 64 : i32
      %dma_wait3A_99 = tpu.memref_slice %arg7[%mul3A_53, %dma_wait3A_98] : memref<80x128xi32, #tpu.memory_space<vmem>> -> memref<1x64xi32, #tpu.memory_space<vmem>>
      %dma_wait3A_100 = tpu.memref_squeeze %dma_wait3A_99 : memref<1x64xi32, #tpu.memory_space<vmem>> -> memref<64xi32, #tpu.memory_space<vmem>>
      %dma_wait3A_101 = arith.constant 0 : i32
      %dma_wait3A_102 = arith.constant 0 : i32
      %dma_wait3A_103 = tpu.memref_slice %arg2[%dma_wait3A_101, %dma_wait3A_102] : memref<10000x128xf32, #tpu.memory_space<hbm>> -> memref<10000x128xf32, #tpu.memory_space<hbm>>
      tpu.wait_indirect_dma semaphore(%arg12 : memref<!tpu.dma_semaphore, #tpu.memory_space<semaphore_mem>>) src(%dma_wait3A_103 : memref<10000x128xf32, #tpu.memory_space<hbm>>) dst(%dma_wait3A_97 : memref<64x128xf32, #tpu.memory_space<vmem>>)
      %dma_wait3A_104 = arith.constant 0 : i32
      %dma_wait3A_105 = arith.constant 0 : i32
      %dma_wait3A_106 = tpu.memref_slice %arg8[%dma_wait3A_104, %dma_wait3A_105] : memref<2x128xi32, #tpu.memory_space<vmem>> -> memref<1x128xi32, #tpu.memory_space<vmem>>
      %dma_wait3A_107 = tpu.memref_squeeze %dma_wait3A_106 : memref<1x128xi32, #tpu.memory_space<vmem>> -> memref<128xi32, #tpu.memory_space<vmem>>
      %dma_wait3A_108 = arith.constant 0 : i32
      %dma_wait3A_109 = tpu.memref_slice %arg4[%add3A, %mul3A_53, %dma_wait3A_108] : memref<32x80x128xi32, #tpu.memory_space<hbm>> -> memref<1x1x128xi32, #tpu.memory_space<hbm>>
      %dma_wait3A_110 = tpu.memref_squeeze %dma_wait3A_109 : memref<1x1x128xi32, #tpu.memory_space<hbm>> -> memref<128xi32, #tpu.memory_space<hbm>>
      %dma_wait3A_111 = arith.constant 0 : i32
      %dma_wait3A_112 = tpu.memref_slice %arg8[%dma_wait3A_104, %dma_wait3A_111] : memref<2x128xi32, #tpu.memory_space<vmem>> -> memref<1x128xi32, #tpu.memory_space<vmem>>
      %dma_wait3A_113 = tpu.memref_squeeze %dma_wait3A_112 : memref<1x128xi32, #tpu.memory_space<vmem>> -> memref<128xi32, #tpu.memory_space<vmem>>
      %dma_wait3A_114 = arith.constant 0 : i32
      %dma_wait3A_115 = tpu.memref_slice %arg4[%add3A, %mul3A_53, %dma_wait3A_114] : memref<32x80x128xi32, #tpu.memory_space<hbm>> -> memref<1x1x128xi32, #tpu.memory_space<hbm>>
      %dma_wait3A_116 = tpu.memref_squeeze %dma_wait3A_115 : memref<1x1x128xi32, #tpu.memory_space<hbm>> -> memref<128xi32, #tpu.memory_space<hbm>>
      tpu.wait_dma2 semaphore(%arg14 : memref<!tpu.dma_semaphore, #tpu.memory_space<semaphore_mem>>) src(%dma_wait3A_116 : memref<128xi32, #tpu.memory_space<hbm>>) dst(%dma_wait3A_113 : memref<128xi32, #tpu.memory_space<vmem>>)
      %run_scoped3A = arith.constant 0 : i32
      "tpu.region"() ({
        %run_scoped3A_153 = tpu.sem_alloc : memref<!tpu.dma_semaphore, #tpu.memory_space<semaphore_mem>>
        %dma_start3A_154 = arith.constant 0 : i32
        %dma_start3A_155 = tpu.memref_slice %arg8[%run_scoped3A, %dma_start3A_154] : memref<2x128xi32, #tpu.memory_space<vmem>> -> memref<1x128xi32, #tpu.memory_space<vmem>>
        %dma_start3A_156 = tpu.memref_squeeze %dma_start3A_155 : memref<1x128xi32, #tpu.memory_space<vmem>> -> memref<128xi32, #tpu.memory_space<vmem>>
        %dma_start3A_157 = arith.constant 0 : i32
        %dma_start3A_158 = arith.constant 0 : i32
        %dma_start3A_159 = tpu.memref_slice %arg11[%dma_start3A_157, %dma_start3A_158] : memref<10112x128xf32, #tpu.memory_space<vmem_shared>> -> memref<10112x128xf32, #tpu.memory_space<vmem_shared>>
        tpu.enqueue_indirect_dma source(%arg9 : memref<128x128xf32, #tpu.memory_space<vmem>>) target(%dma_start3A_159 : memref<10112x128xf32, #tpu.memory_space<vmem_shared>>) offsets(%dma_start3A_156 : memref<128xi32, #tpu.memory_space<vmem>>) semaphore(%run_scoped3A_153 : memref<!tpu.dma_semaphore, #tpu.memory_space<semaphore_mem>>) {add = true}
        %dma_wait3A_160 = arith.constant 0 : i32
        %dma_wait3A_161 = tpu.memref_slice %arg8[%run_scoped3A, %dma_wait3A_160] : memref<2x128xi32, #tpu.memory_space<vmem>> -> memref<1x128xi32, #tpu.memory_space<vmem>>
        %dma_wait3A_162 = tpu.memref_squeeze %dma_wait3A_161 : memref<1x128xi32, #tpu.memory_space<vmem>> -> memref<128xi32, #tpu.memory_space<vmem>>
        %dma_wait3A_163 = arith.constant 0 : i32
        %dma_wait3A_164 = arith.constant 0 : i32
        %dma_wait3A_165 = tpu.memref_slice %arg11[%dma_wait3A_163, %dma_wait3A_164] : memref<10112x128xf32, #tpu.memory_space<vmem_shared>> -> memref<10112x128xf32, #tpu.memory_space<vmem_shared>>
        tpu.wait_indirect_dma semaphore(%run_scoped3A_153 : memref<!tpu.dma_semaphore, #tpu.memory_space<semaphore_mem>>) src(%arg9 : memref<128x128xf32, #tpu.memory_space<vmem>>) dst(%dma_wait3A_165 : memref<10112x128xf32, #tpu.memory_space<vmem_shared>>)
        tpu.yield
      }) : () -> ()
      %lt3A = arith.constant 39 : i32
      %lt3A_117 = arith.cmpi slt, %scan3A_51, %lt3A : i32
      %convert_element_type3A = arith.extui %lt3A_117 : i1 to i32
      %cond3A = arith.constant 0 : i32
      %cond3A_118 = arith.cmpi ne, %convert_element_type3A, %cond3A : i32
      scf.if %cond3A_118 {
        %add3A_153 = arith.constant 2 : i32
        %add3A_154 = arith.addi %mul3A_53, %add3A_153 : i32
        %dma_start3A_155 = arith.constant 0 : i32
        %dma_start3A_156 = arith.constant 0 : i32
        %dma_start3A_157 = tpu.memref_slice %arg9[%dma_start3A_155, %dma_start3A_156] : memref<128x128xf32, #tpu.memory_space<vmem>> -> memref<64x128xf32, #tpu.memory_space<vmem>>
        %dma_start3A_158 = arith.constant 0 : i32
        %dma_start3A_159 = tpu.memref_slice %arg7[%add3A_154, %dma_start3A_158] : memref<80x128xi32, #tpu.memory_space<vmem>> -> memref<1x64xi32, #tpu.memory_space<vmem>>
        %dma_start3A_160 = tpu.memref_squeeze %dma_start3A_159 : memref<1x64xi32, #tpu.memory_space<vmem>> -> memref<64xi32, #tpu.memory_space<vmem>>
        %dma_start3A_161 = arith.constant 0 : i32
        %dma_start3A_162 = arith.constant 0 : i32
        %dma_start3A_163 = tpu.memref_slice %arg2[%dma_start3A_161, %dma_start3A_162] : memref<10000x128xf32, #tpu.memory_space<hbm>> -> memref<10000x128xf32, #tpu.memory_space<hbm>>
        tpu.enqueue_indirect_dma source(%dma_start3A_163 : memref<10000x128xf32, #tpu.memory_space<hbm>>) target(%dma_start3A_157 : memref<64x128xf32, #tpu.memory_space<vmem>>) offsets(%dma_start3A_160 : memref<64xi32, #tpu.memory_space<vmem>>) semaphore(%arg12 : memref<!tpu.dma_semaphore, #tpu.memory_space<semaphore_mem>>)
        %dma_start3A_164 = arith.constant 64 : i32
        %dma_start3A_165 = arith.constant 0 : i32
        %dma_start3A_166 = tpu.memref_slice %arg9[%dma_start3A_164, %dma_start3A_165] : memref<128x128xf32, #tpu.memory_space<vmem>> -> memref<64x128xf32, #tpu.memory_space<vmem>>
        %dma_start3A_167 = arith.constant 64 : i32
        %dma_start3A_168 = tpu.memref_slice %arg7[%add3A_154, %dma_start3A_167] : memref<80x128xi32, #tpu.memory_space<vmem>> -> memref<1x64xi32, #tpu.memory_space<vmem>>
        %dma_start3A_169 = tpu.memref_squeeze %dma_start3A_168 : memref<1x64xi32, #tpu.memory_space<vmem>> -> memref<64xi32, #tpu.memory_space<vmem>>
        %dma_start3A_170 = arith.constant 0 : i32
        %dma_start3A_171 = arith.constant 0 : i32
        %dma_start3A_172 = tpu.memref_slice %arg2[%dma_start3A_170, %dma_start3A_171] : memref<10000x128xf32, #tpu.memory_space<hbm>> -> memref<10000x128xf32, #tpu.memory_space<hbm>>
        tpu.enqueue_indirect_dma source(%dma_start3A_172 : memref<10000x128xf32, #tpu.memory_space<hbm>>) target(%dma_start3A_166 : memref<64x128xf32, #tpu.memory_space<vmem>>) offsets(%dma_start3A_169 : memref<64xi32, #tpu.memory_space<vmem>>) semaphore(%arg12 : memref<!tpu.dma_semaphore, #tpu.memory_space<semaphore_mem>>)
        %dma_start3A_173 = arith.constant 0 : i32
        %dma_start3A_174 = arith.constant 0 : i32
        %dma_start3A_175 = tpu.memref_slice %arg8[%dma_start3A_173, %dma_start3A_174] : memref<2x128xi32, #tpu.memory_space<vmem>> -> memref<1x128xi32, #tpu.memory_space<vmem>>
        %dma_start3A_176 = tpu.memref_squeeze %dma_start3A_175 : memref<1x128xi32, #tpu.memory_space<vmem>> -> memref<128xi32, #tpu.memory_space<vmem>>
        %dma_start3A_177 = arith.constant 0 : i32
        %dma_start3A_178 = tpu.memref_slice %arg4[%add3A, %add3A_154, %dma_start3A_177] : memref<32x80x128xi32, #tpu.memory_space<hbm>> -> memref<1x1x128xi32, #tpu.memory_space<hbm>>
        %dma_start3A_179 = tpu.memref_squeeze %dma_start3A_178 : memref<1x1x128xi32, #tpu.memory_space<hbm>> -> memref<128xi32, #tpu.memory_space<hbm>>
        %dma_start3A_180 = arith.constant 0 : i32
        %dma_start3A_181 = tpu.memref_slice %arg8[%dma_start3A_173, %dma_start3A_180] : memref<2x128xi32, #tpu.memory_space<vmem>> -> memref<1x128xi32, #tpu.memory_space<vmem>>
        %dma_start3A_182 = tpu.memref_squeeze %dma_start3A_181 : memref<1x128xi32, #tpu.memory_space<vmem>> -> memref<128xi32, #tpu.memory_space<vmem>>
        %dma_start3A_183 = arith.constant 0 : i32
        %dma_start3A_184 = tpu.memref_slice %arg4[%add3A, %add3A_154, %dma_start3A_183] : memref<32x80x128xi32, #tpu.memory_space<hbm>> -> memref<1x1x128xi32, #tpu.memory_space<hbm>>
        %dma_start3A_185 = tpu.memref_squeeze %dma_start3A_184 : memref<1x1x128xi32, #tpu.memory_space<hbm>> -> memref<128xi32, #tpu.memory_space<hbm>>
        tpu.enqueue_dma source(%dma_start3A_185 : memref<128xi32, #tpu.memory_space<hbm>>) target(%dma_start3A_182 : memref<128xi32, #tpu.memory_space<vmem>>) target_semaphore(%arg14 : memref<!tpu.dma_semaphore, #tpu.memory_space<semaphore_mem>>)
      } else {
      }
      %add3A_119 = arith.constant 1 : i32
      %add3A_120 = arith.addi %mul3A_53, %add3A_119 : i32
      %dma_wait3A_121 = arith.constant 0 : i32
      %dma_wait3A_122 = arith.constant 0 : i32
      %dma_wait3A_123 = tpu.memref_slice %arg10[%dma_wait3A_121, %dma_wait3A_122] : memref<128x128xf32, #tpu.memory_space<vmem>> -> memref<64x128xf32, #tpu.memory_space<vmem>>
      %dma_wait3A_124 = arith.constant 0 : i32
      %dma_wait3A_125 = tpu.memref_slice %arg7[%add3A_120, %dma_wait3A_124] : memref<80x128xi32, #tpu.memory_space<vmem>> -> memref<1x64xi32, #tpu.memory_space<vmem>>
      %dma_wait3A_126 = tpu.memref_squeeze %dma_wait3A_125 : memref<1x64xi32, #tpu.memory_space<vmem>> -> memref<64xi32, #tpu.memory_space<vmem>>
      %dma_wait3A_127 = arith.constant 0 : i32
      %dma_wait3A_128 = arith.constant 0 : i32
      %dma_wait3A_129 = tpu.memref_slice %arg2[%dma_wait3A_127, %dma_wait3A_128] : memref<10000x128xf32, #tpu.memory_space<hbm>> -> memref<10000x128xf32, #tpu.memory_space<hbm>>
      tpu.wait_indirect_dma semaphore(%arg13 : memref<!tpu.dma_semaphore, #tpu.memory_space<semaphore_mem>>) src(%dma_wait3A_129 : memref<10000x128xf32, #tpu.memory_space<hbm>>) dst(%dma_wait3A_123 : memref<64x128xf32, #tpu.memory_space<vmem>>)
      %dma_wait3A_130 = arith.constant 64 : i32
      %dma_wait3A_131 = arith.constant 0 : i32
      %dma_wait3A_132 = tpu.memref_slice %arg10[%dma_wait3A_130, %dma_wait3A_131] : memref<128x128xf32, #tpu.memory_space<vmem>> -> memref<64x128xf32, #tpu.memory_space<vmem>>
      %dma_wait3A_133 = arith.constant 64 : i32
      %dma_wait3A_134 = tpu.memref_slice %arg7[%add3A_120, %dma_wait3A_133] : memref<80x128xi32, #tpu.memory_space<vmem>> -> memref<1x64xi32, #tpu.memory_space<vmem>>
      %dma_wait3A_135 = tpu.memref_squeeze %dma_wait3A_134 : memref<1x64xi32, #tpu.memory_space<vmem>> -> memref<64xi32, #tpu.memory_space<vmem>>
      %dma_wait3A_136 = arith.constant 0 : i32
      %dma_wait3A_137 = arith.constant 0 : i32
      %dma_wait3A_138 = tpu.memref_slice %arg2[%dma_wait3A_136, %dma_wait3A_137] : memref<10000x128xf32, #tpu.memory_space<hbm>> -> memref<10000x128xf32, #tpu.memory_space<hbm>>
      tpu.wait_indirect_dma semaphore(%arg13 : memref<!tpu.dma_semaphore, #tpu.memory_space<semaphore_mem>>) src(%dma_wait3A_138 : memref<10000x128xf32, #tpu.memory_space<hbm>>) dst(%dma_wait3A_132 : memref<64x128xf32, #tpu.memory_space<vmem>>)
      %dma_wait3A_139 = arith.constant 1 : i32
      %dma_wait3A_140 = arith.constant 0 : i32
      %dma_wait3A_141 = tpu.memref_slice %arg8[%dma_wait3A_139, %dma_wait3A_140] : memref<2x128xi32, #tpu.memory_space<vmem>> -> memref<1x128xi32, #tpu.memory_space<vmem>>
      %dma_wait3A_142 = tpu.memref_squeeze %dma_wait3A_141 : memref<1x128xi32, #tpu.memory_space<vmem>> -> memref<128xi32, #tpu.memory_space<vmem>>
      %dma_wait3A_143 = arith.constant 0 : i32
      %dma_wait3A_144 = tpu.memref_slice %arg4[%add3A, %add3A_120, %dma_wait3A_143] : memref<32x80x128xi32, #tpu.memory_space<hbm>> -> memref<1x1x128xi32, #tpu.memory_space<hbm>>
      %dma_wait3A_145 = tpu.memref_squeeze %dma_wait3A_144 : memref<1x1x128xi32, #tpu.memory_space<hbm>> -> memref<128xi32, #tpu.memory_space<hbm>>
      %dma_wait3A_146 = arith.constant 0 : i32
      %dma_wait3A_147 = tpu.memref_slice %arg8[%dma_wait3A_139, %dma_wait3A_146] : memref<2x128xi32, #tpu.memory_space<vmem>> -> memref<1x128xi32, #tpu.memory_space<vmem>>
      %dma_wait3A_148 = tpu.memref_squeeze %dma_wait3A_147 : memref<1x128xi32, #tpu.memory_space<vmem>> -> memref<128xi32, #tpu.memory_space<vmem>>
      %dma_wait3A_149 = arith.constant 0 : i32
      %dma_wait3A_150 = tpu.memref_slice %arg4[%add3A, %add3A_120, %dma_wait3A_149] : memref<32x80x128xi32, #tpu.memory_space<hbm>> -> memref<1x1x128xi32, #tpu.memory_space<hbm>>
      %dma_wait3A_151 = tpu.memref_squeeze %dma_wait3A_150 : memref<1x1x128xi32, #tpu.memory_space<hbm>> -> memref<128xi32, #tpu.memory_space<hbm>>
      tpu.wait_dma2 semaphore(%arg15 : memref<!tpu.dma_semaphore, #tpu.memory_space<semaphore_mem>>) src(%dma_wait3A_151 : memref<128xi32, #tpu.memory_space<hbm>>) dst(%dma_wait3A_148 : memref<128xi32, #tpu.memory_space<vmem>>)
      %run_scoped3A_152 = arith.constant 1 : i32
      "tpu.region"() ({
        %run_scoped3A_153 = tpu.sem_alloc : memref<!tpu.dma_semaphore, #tpu.memory_space<semaphore_mem>>
        %dma_start3A_154 = arith.constant 0 : i32
        %dma_start3A_155 = tpu.memref_slice %arg8[%run_scoped3A_152, %dma_start3A_154] : memref<2x128xi32, #tpu.memory_space<vmem>> -> memref<1x128xi32, #tpu.memory_space<vmem>>
        %dma_start3A_156 = tpu.memref_squeeze %dma_start3A_155 : memref<1x128xi32, #tpu.memory_space<vmem>> -> memref<128xi32, #tpu.memory_space<vmem>>
        %dma_start3A_157 = arith.constant 0 : i32
        %dma_start3A_158 = arith.constant 0 : i32
        %dma_start3A_159 = tpu.memref_slice %arg11[%dma_start3A_157, %dma_start3A_158] : memref<10112x128xf32, #tpu.memory_space<vmem_shared>> -> memref<10112x128xf32, #tpu.memory_space<vmem_shared>>
        tpu.enqueue_indirect_dma source(%arg10 : memref<128x128xf32, #tpu.memory_space<vmem>>) target(%dma_start3A_159 : memref<10112x128xf32, #tpu.memory_space<vmem_shared>>) offsets(%dma_start3A_156 : memref<128xi32, #tpu.memory_space<vmem>>) semaphore(%run_scoped3A_153 : memref<!tpu.dma_semaphore, #tpu.memory_space<semaphore_mem>>) {add = true}
        %dma_wait3A_160 = arith.constant 0 : i32
        %dma_wait3A_161 = tpu.memref_slice %arg8[%run_scoped3A_152, %dma_wait3A_160] : memref<2x128xi32, #tpu.memory_space<vmem>> -> memref<1x128xi32, #tpu.memory_space<vmem>>
        %dma_wait3A_162 = tpu.memref_squeeze %dma_wait3A_161 : memref<1x128xi32, #tpu.memory_space<vmem>> -> memref<128xi32, #tpu.memory_space<vmem>>
        %dma_wait3A_163 = arith.constant 0 : i32
        %dma_wait3A_164 = arith.constant 0 : i32
        %dma_wait3A_165 = tpu.memref_slice %arg11[%dma_wait3A_163, %dma_wait3A_164] : memref<10112x128xf32, #tpu.memory_space<vmem_shared>> -> memref<10112x128xf32, #tpu.memory_space<vmem_shared>>
        tpu.wait_indirect_dma semaphore(%run_scoped3A_153 : memref<!tpu.dma_semaphore, #tpu.memory_space<semaphore_mem>>) src(%arg10 : memref<128x128xf32, #tpu.memory_space<vmem>>) dst(%dma_wait3A_165 : memref<10112x128xf32, #tpu.memory_space<vmem_shared>>)
        tpu.yield
      }) : () -> ()
    }
    %scan3A_42 = arith.constant 40 : i32
    %barrier3A_43 = arith.constant 0 : index
    tpu.barrier barrier_id(%barrier3A_43)
    %mul3A_44 = arith.constant 632 : i32
    %mul3A_45 = arith.muli %arg1, %mul3A_44 : i32
    %mul3A_46 = arith.constant 10112 : i32
    %mul3A_47 = arith.muli %arg0, %mul3A_46 : i32
    %mul3A_48 = arith.constant 632 : i32
    %mul3A_49 = arith.muli %arg1, %mul3A_48 : i32
    %add3A_50 = arith.addi %mul3A_47, %mul3A_49 : i32
    "tpu.region"() ({
      %run_scoped3A = tpu.sem_alloc : memref<!tpu.dma_semaphore, #tpu.memory_space<semaphore_mem>>
      %dma_start3A_51 = arith.constant 0 : i32
      %dma_start3A_52 = tpu.memref_slice %arg6[%add3A_50, %dma_start3A_51] : memref<20224x128xf32, #tpu.memory_space<hbm>> -> memref<632x128xf32, #tpu.memory_space<hbm>>
      %dma_start3A_53 = arith.constant 0 : i32
      %dma_start3A_54 = tpu.memref_slice %arg11[%mul3A_45, %dma_start3A_53] : memref<10112x128xf32, #tpu.memory_space<vmem_shared>> -> memref<632x128xf32, #tpu.memory_space<vmem_shared>>
      tpu.enqueue_dma source(%dma_start3A_54 : memref<632x128xf32, #tpu.memory_space<vmem_shared>>) target(%dma_start3A_52 : memref<632x128xf32, #tpu.memory_space<hbm>>) target_semaphore(%run_scoped3A : memref<!tpu.dma_semaphore, #tpu.memory_space<semaphore_mem>>)
      %dma_wait3A = arith.constant 0 : i32
      %dma_wait3A_55 = tpu.memref_slice %arg6[%add3A_50, %dma_wait3A] : memref<20224x128xf32, #tpu.memory_space<hbm>> -> memref<632x128xf32, #tpu.memory_space<hbm>>
      %dma_wait3A_56 = arith.constant 0 : i32
      %dma_wait3A_57 = tpu.memref_slice %arg11[%mul3A_45, %dma_wait3A_56] : memref<10112x128xf32, #tpu.memory_space<vmem_shared>> -> memref<632x128xf32, #tpu.memory_space<vmem_shared>>
      tpu.wait_dma2 semaphore(%run_scoped3A : memref<!tpu.dma_semaphore, #tpu.memory_space<semaphore_mem>>) src(%dma_wait3A_57 : memref<632x128xf32, #tpu.memory_space<vmem_shared>>) dst(%dma_wait3A_55 : memref<632x128xf32, #tpu.memory_space<hbm>>)
      tpu.yield
    }) : () -> ()
    return
  }
}

#map = affine_map<(d0, d1) -> (0, 0)>
#map1 = affine_map<(d0, d1) -> (0, 0, 0)>
module attributes {stable_mosaic.version = 14 : i64} {
  func.func @_sc_edge_agg_body(%arg0: i32, %arg1: i32, %arg2: memref<10000x128xf32, #tpu.memory_space<hbm>>, %arg3: memref<32x80x128xi32, #tpu.memory_space<hbm>>, %arg4: memref<32x80x128xi32, #tpu.memory_space<hbm>>, %arg5: memref<10112x128xf32, #tpu.memory_space<hbm>>, %arg6: memref<20224x128xf32, #tpu.memory_space<hbm>>, %arg7: memref<80x128xi32, #tpu.memory_space<vmem>>, %arg8: memref<2x128xi32, #tpu.memory_space<vmem>>, %arg9: memref<128x128xf32, #tpu.memory_space<vmem>>, %arg10: memref<128x128xf32, #tpu.memory_space<vmem>>, %arg11: memref<10112x128xf32, #tpu.memory_space<vmem_shared>>, %arg12: memref<!tpu.dma_semaphore, #tpu.memory_space<semaphore_mem>>, %arg13: memref<!tpu.dma_semaphore, #tpu.memory_space<semaphore_mem>>, %arg14: memref<!tpu.dma_semaphore, #tpu.memory_space<semaphore_mem>>, %arg15: memref<!tpu.dma_semaphore, #tpu.memory_space<semaphore_mem>>) attributes {dimension_semantics = [#tpu.dimension_semantics<core_parallel>, #tpu.dimension_semantics<subcore_parallel>], iteration_bounds = array<i64: 2, 16>, scalar_prefetch = 0 : i64, scratch_operands = 9 : i64, tpu.core_type = #tpu.core_type<sc_vector_subcore>, window_params = [{transform_indices = #map}, {transform_indices = #map1}, {transform_indices = #map1}, {transform_indices = #map}, {transform_indices = #map}]} {
    %mul3A = arith.constant 16 : i32
    %mul3A_0 = arith.muli %arg0, %mul3A : i32
    %add3A = arith.addi %mul3A_0, %arg1 : i32
    "tpu.region"() ({
      %run_scoped3A = tpu.sem_alloc : memref<!tpu.dma_semaphore, #tpu.memory_space<semaphore_mem>>
      %dma_start3A_51 = arith.constant 0 : i32
      %dma_start3A_52 = arith.constant 0 : i32
      %dma_start3A_53 = tpu.memref_slice %arg3[%add3A, %dma_start3A_51, %dma_start3A_52] : memref<32x80x128xi32, #tpu.memory_space<hbm>> -> memref<1x80x128xi32, #tpu.memory_space<hbm>>
      %dma_start3A_54 = tpu.memref_squeeze %dma_start3A_53 : memref<1x80x128xi32, #tpu.memory_space<hbm>> -> memref<80x128xi32, #tpu.memory_space<hbm>>
      %dma_start3A_55 = arith.constant 0 : i32
      %dma_start3A_56 = arith.constant 0 : i32
      %dma_start3A_57 = tpu.memref_slice %arg3[%add3A, %dma_start3A_55, %dma_start3A_56] : memref<32x80x128xi32, #tpu.memory_space<hbm>> -> memref<1x80x128xi32, #tpu.memory_space<hbm>>
      %dma_start3A_58 = tpu.memref_squeeze %dma_start3A_57 : memref<1x80x128xi32, #tpu.memory_space<hbm>> -> memref<80x128xi32, #tpu.memory_space<hbm>>
      tpu.enqueue_dma source(%dma_start3A_58 : memref<80x128xi32, #tpu.memory_space<hbm>>) target(%arg7 : memref<80x128xi32, #tpu.memory_space<vmem>>) target_semaphore(%run_scoped3A : memref<!tpu.dma_semaphore, #tpu.memory_space<semaphore_mem>>)
      %dma_wait3A = arith.constant 0 : i32
      %dma_wait3A_59 = arith.constant 0 : i32
      %dma_wait3A_60 = tpu.memref_slice %arg3[%add3A, %dma_wait3A, %dma_wait3A_59] : memref<32x80x128xi32, #tpu.memory_space<hbm>> -> memref<1x80x128xi32, #tpu.memory_space<hbm>>
      %dma_wait3A_61 = tpu.memref_squeeze %dma_wait3A_60 : memref<1x80x128xi32, #tpu.memory_space<hbm>> -> memref<80x128xi32, #tpu.memory_space<hbm>>
      %dma_wait3A_62 = arith.constant 0 : i32
      %dma_wait3A_63 = arith.constant 0 : i32
      %dma_wait3A_64 = tpu.memref_slice %arg3[%add3A, %dma_wait3A_62, %dma_wait3A_63] : memref<32x80x128xi32, #tpu.memory_space<hbm>> -> memref<1x80x128xi32, #tpu.memory_space<hbm>>
      %dma_wait3A_65 = tpu.memref_squeeze %dma_wait3A_64 : memref<1x80x128xi32, #tpu.memory_space<hbm>> -> memref<80x128xi32, #tpu.memory_space<hbm>>
      tpu.wait_dma2 semaphore(%run_scoped3A : memref<!tpu.dma_semaphore, #tpu.memory_space<semaphore_mem>>) src(%dma_wait3A_65 : memref<80x128xi32, #tpu.memory_space<hbm>>) dst(%arg7 : memref<80x128xi32, #tpu.memory_space<vmem>>)
      tpu.yield
    }) : () -> ()
    %mul3A_1 = arith.constant 632 : i32
    %mul3A_2 = arith.muli %arg1, %mul3A_1 : i32
    %mul3A_3 = arith.constant 632 : i32
    %mul3A_4 = arith.muli %arg1, %mul3A_3 : i32
    "tpu.region"() ({
      %run_scoped3A = tpu.sem_alloc : memref<!tpu.dma_semaphore, #tpu.memory_space<semaphore_mem>>
      %dma_start3A_51 = arith.constant 0 : i32
      %dma_start3A_52 = tpu.memref_slice %arg11[%mul3A_4, %dma_start3A_51] : memref<10112x128xf32, #tpu.memory_space<vmem_shared>> -> memref<632x128xf32, #tpu.memory_space<vmem_shared>>
      %dma_start3A_53 = arith.constant 0 : i32
      %dma_start3A_54 = tpu.memref_slice %arg5[%mul3A_2, %dma_start3A_53] : memref<10112x128xf32, #tpu.memory_space<hbm>> -> memref<632x128xf32, #tpu.memory_space<hbm>>
      tpu.enqueue_dma source(%dma_start3A_54 : memref<632x128xf32, #tpu.memory_space<hbm>>) target(%dma_start3A_52 : memref<632x128xf32, #tpu.memory_space<vmem_shared>>) target_semaphore(%run_scoped3A : memref<!tpu.dma_semaphore, #tpu.memory_space<semaphore_mem>>)
      %dma_wait3A = arith.constant 0 : i32
      %dma_wait3A_55 = tpu.memref_slice %arg11[%mul3A_4, %dma_wait3A] : memref<10112x128xf32, #tpu.memory_space<vmem_shared>> -> memref<632x128xf32, #tpu.memory_space<vmem_shared>>
      %dma_wait3A_56 = arith.constant 0 : i32
      %dma_wait3A_57 = tpu.memref_slice %arg5[%mul3A_2, %dma_wait3A_56] : memref<10112x128xf32, #tpu.memory_space<hbm>> -> memref<632x128xf32, #tpu.memory_space<hbm>>
      tpu.wait_dma2 semaphore(%run_scoped3A : memref<!tpu.dma_semaphore, #tpu.memory_space<semaphore_mem>>) src(%dma_wait3A_57 : memref<632x128xf32, #tpu.memory_space<hbm>>) dst(%dma_wait3A_55 : memref<632x128xf32, #tpu.memory_space<vmem_shared>>)
      tpu.yield
    }) : () -> ()
    %barrier3A = arith.constant 0 : index
    tpu.barrier barrier_id(%barrier3A)
    %dma_start3A = arith.constant 0 : i32
    %dma_start3A_5 = arith.constant 0 : i32
    %dma_start3A_6 = arith.constant 0 : i32
    %dma_start3A_7 = tpu.memref_slice %arg9[%dma_start3A_5, %dma_start3A_6] : memref<128x128xf32, #tpu.memory_space<vmem>> -> memref<64x128xf32, #tpu.memory_space<vmem>>
    %dma_start3A_8 = arith.constant 0 : i32
    %dma_start3A_9 = tpu.memref_slice %arg7[%dma_start3A, %dma_start3A_8] : memref<80x128xi32, #tpu.memory_space<vmem>> -> memref<1x64xi32, #tpu.memory_space<vmem>>
    %dma_start3A_10 = tpu.memref_squeeze %dma_start3A_9 : memref<1x64xi32, #tpu.memory_space<vmem>> -> memref<64xi32, #tpu.memory_space<vmem>>
    %dma_start3A_11 = arith.constant 0 : i32
    %dma_start3A_12 = arith.constant 0 : i32
    %dma_start3A_13 = tpu.memref_slice %arg2[%dma_start3A_11, %dma_start3A_12] : memref<10000x128xf32, #tpu.memory_space<hbm>> -> memref<10000x128xf32, #tpu.memory_space<hbm>>
    tpu.enqueue_indirect_dma source(%dma_start3A_13 : memref<10000x128xf32, #tpu.memory_space<hbm>>) target(%dma_start3A_7 : memref<64x128xf32, #tpu.memory_space<vmem>>) offsets(%dma_start3A_10 : memref<64xi32, #tpu.memory_space<vmem>>) semaphore(%arg12 : memref<!tpu.dma_semaphore, #tpu.memory_space<semaphore_mem>>)
    %dma_start3A_14 = arith.constant 0 : i32
    %dma_start3A_15 = arith.constant 64 : i32
    %dma_start3A_16 = arith.constant 0 : i32
    %dma_start3A_17 = tpu.memref_slice %arg9[%dma_start3A_15, %dma_start3A_16] : memref<128x128xf32, #tpu.memory_space<vmem>> -> memref<64x128xf32, #tpu.memory_space<vmem>>
    %dma_start3A_18 = arith.constant 64 : i32
    %dma_start3A_19 = tpu.memref_slice %arg7[%dma_start3A_14, %dma_start3A_18] : memref<80x128xi32, #tpu.memory_space<vmem>> -> memref<1x64xi32, #tpu.memory_space<vmem>>
    %dma_start3A_20 = tpu.memref_squeeze %dma_start3A_19 : memref<1x64xi32, #tpu.memory_space<vmem>> -> memref<64xi32, #tpu.memory_space<vmem>>
    %dma_start3A_21 = arith.constant 0 : i32
    %dma_start3A_22 = arith.constant 0 : i32
    %dma_start3A_23 = tpu.memref_slice %arg2[%dma_start3A_21, %dma_start3A_22] : memref<10000x128xf32, #tpu.memory_space<hbm>> -> memref<10000x128xf32, #tpu.memory_space<hbm>>
    tpu.enqueue_indirect_dma source(%dma_start3A_23 : memref<10000x128xf32, #tpu.memory_space<hbm>>) target(%dma_start3A_17 : memref<64x128xf32, #tpu.memory_space<vmem>>) offsets(%dma_start3A_20 : memref<64xi32, #tpu.memory_space<vmem>>) semaphore(%arg12 : memref<!tpu.dma_semaphore, #tpu.memory_space<semaphore_mem>>)
    %dma_start3A_24 = arith.constant 0 : i32
    %dma_start3A_25 = arith.constant 0 : i32
    %dma_start3A_26 = arith.constant 0 : i32
    %dma_start3A_27 = tpu.memref_slice %arg8[%dma_start3A_25, %dma_start3A_26] : memref<2x128xi32, #tpu.memory_space<vmem>> -> memref<1x128xi32, #tpu.memory_space<vmem>>
    %dma_start3A_28 = tpu.memref_squeeze %dma_start3A_27 : memref<1x128xi32, #tpu.memory_space<vmem>> -> memref<128xi32, #tpu.memory_space<vmem>>
    %dma_start3A_29 = arith.constant 0 : i32
    %dma_start3A_30 = tpu.memref_slice %arg4[%add3A, %dma_start3A_24, %dma_start3A_29] : memref<32x80x128xi32, #tpu.memory_space<hbm>> -> memref<1x1x128xi32, #tpu.memory_space<hbm>>
    %dma_start3A_31 = tpu.memref_squeeze %dma_start3A_30 : memref<1x1x128xi32, #tpu.memory_space<hbm>> -> memref<128xi32, #tpu.memory_space<hbm>>
    %dma_start3A_32 = arith.constant 0 : i32
    %dma_start3A_33 = tpu.memref_slice %arg8[%dma_start3A_25, %dma_start3A_32] : memref<2x128xi32, #tpu.memory_space<vmem>> -> memref<1x128xi32, #tpu.memory_space<vmem>>
    %dma_start3A_34 = tpu.memref_squeeze %dma_start3A_33 : memref<1x128xi32, #tpu.memory_space<vmem>> -> memref<128xi32, #tpu.memory_space<vmem>>
    %dma_start3A_35 = arith.constant 0 : i32
    %dma_start3A_36 = tpu.memref_slice %arg4[%add3A, %dma_start3A_24, %dma_start3A_35] : memref<32x80x128xi32, #tpu.memory_space<hbm>> -> memref<1x1x128xi32, #tpu.memory_space<hbm>>
    %dma_start3A_37 = tpu.memref_squeeze %dma_start3A_36 : memref<1x1x128xi32, #tpu.memory_space<hbm>> -> memref<128xi32, #tpu.memory_space<hbm>>
    tpu.enqueue_dma source(%dma_start3A_37 : memref<128xi32, #tpu.memory_space<hbm>>) target(%dma_start3A_34 : memref<128xi32, #tpu.memory_space<vmem>>) target_semaphore(%arg14 : memref<!tpu.dma_semaphore, #tpu.memory_space<semaphore_mem>>)
    %scan3A = arith.constant 0 : i32
    %scan3A_38 = arith.constant 0 : i32
    %scan3A_39 = arith.constant 40 : i32
    %scan3A_40 = arith.addi %scan3A_38, %scan3A_39 : i32
    %scan3A_41 = arith.constant 1 : i32
    scf.for %scan3A_51 = %scan3A_38 to %scan3A_40 step %scan3A_41  : i32 {
      %mul3A_52 = arith.constant 2 : i32
      %mul3A_53 = arith.muli %mul3A_52, %scan3A_51 : i32
      %add3A_54 = arith.constant 1 : i32
      %add3A_55 = arith.addi %mul3A_53, %add3A_54 : i32
      %dma_start3A_56 = arith.constant 0 : i32
      %dma_start3A_57 = arith.constant 0 : i32
      %dma_start3A_58 = tpu.memref_slice %arg10[%dma_start3A_56, %dma_start3A_57] : memref<128x128xf32, #tpu.memory_space<vmem>> -> memref<64x128xf32, #tpu.memory_space<vmem>>
      %dma_start3A_59 = arith.constant 0 : i32
      %dma_start3A_60 = tpu.memref_slice %arg7[%add3A_55, %dma_start3A_59] : memref<80x128xi32, #tpu.memory_space<vmem>> -> memref<1x64xi32, #tpu.memory_space<vmem>>
      %dma_start3A_61 = tpu.memref_squeeze %dma_start3A_60 : memref<1x64xi32, #tpu.memory_space<vmem>> -> memref<64xi32, #tpu.memory_space<vmem>>
      %dma_start3A_62 = arith.constant 0 : i32
      %dma_start3A_63 = arith.constant 0 : i32
      %dma_start3A_64 = tpu.memref_slice %arg2[%dma_start3A_62, %dma_start3A_63] : memref<10000x128xf32, #tpu.memory_space<hbm>> -> memref<10000x128xf32, #tpu.memory_space<hbm>>
      tpu.enqueue_indirect_dma source(%dma_start3A_64 : memref<10000x128xf32, #tpu.memory_space<hbm>>) target(%dma_start3A_58 : memref<64x128xf32, #tpu.memory_space<vmem>>) offsets(%dma_start3A_61 : memref<64xi32, #tpu.memory_space<vmem>>) semaphore(%arg13 : memref<!tpu.dma_semaphore, #tpu.memory_space<semaphore_mem>>)
      %dma_start3A_65 = arith.constant 64 : i32
      %dma_start3A_66 = arith.constant 0 : i32
      %dma_start3A_67 = tpu.memref_slice %arg10[%dma_start3A_65, %dma_start3A_66] : memref<128x128xf32, #tpu.memory_space<vmem>> -> memref<64x128xf32, #tpu.memory_space<vmem>>
      %dma_start3A_68 = arith.constant 64 : i32
      %dma_start3A_69 = tpu.memref_slice %arg7[%add3A_55, %dma_start3A_68] : memref<80x128xi32, #tpu.memory_space<vmem>> -> memref<1x64xi32, #tpu.memory_space<vmem>>
      %dma_start3A_70 = tpu.memref_squeeze %dma_start3A_69 : memref<1x64xi32, #tpu.memory_space<vmem>> -> memref<64xi32, #tpu.memory_space<vmem>>
      %dma_start3A_71 = arith.constant 0 : i32
      %dma_start3A_72 = arith.constant 0 : i32
      %dma_start3A_73 = tpu.memref_slice %arg2[%dma_start3A_71, %dma_start3A_72] : memref<10000x128xf32, #tpu.memory_space<hbm>> -> memref<10000x128xf32, #tpu.memory_space<hbm>>
      tpu.enqueue_indirect_dma source(%dma_start3A_73 : memref<10000x128xf32, #tpu.memory_space<hbm>>) target(%dma_start3A_67 : memref<64x128xf32, #tpu.memory_space<vmem>>) offsets(%dma_start3A_70 : memref<64xi32, #tpu.memory_space<vmem>>) semaphore(%arg13 : memref<!tpu.dma_semaphore, #tpu.memory_space<semaphore_mem>>)
      %dma_start3A_74 = arith.constant 1 : i32
      %dma_start3A_75 = arith.constant 0 : i32
      %dma_start3A_76 = tpu.memref_slice %arg8[%dma_start3A_74, %dma_start3A_75] : memref<2x128xi32, #tpu.memory_space<vmem>> -> memref<1x128xi32, #tpu.memory_space<vmem>>
      %dma_start3A_77 = tpu.memref_squeeze %dma_start3A_76 : memref<1x128xi32, #tpu.memory_space<vmem>> -> memref<128xi32, #tpu.memory_space<vmem>>
      %dma_start3A_78 = arith.constant 0 : i32
      %dma_start3A_79 = tpu.memref_slice %arg4[%add3A, %add3A_55, %dma_start3A_78] : memref<32x80x128xi32, #tpu.memory_space<hbm>> -> memref<1x1x128xi32, #tpu.memory_space<hbm>>
      %dma_start3A_80 = tpu.memref_squeeze %dma_start3A_79 : memref<1x1x128xi32, #tpu.memory_space<hbm>> -> memref<128xi32, #tpu.memory_space<hbm>>
      %dma_start3A_81 = arith.constant 0 : i32
      %dma_start3A_82 = tpu.memref_slice %arg8[%dma_start3A_74, %dma_start3A_81] : memref<2x128xi32, #tpu.memory_space<vmem>> -> memref<1x128xi32, #tpu.memory_space<vmem>>
      %dma_start3A_83 = tpu.memref_squeeze %dma_start3A_82 : memref<1x128xi32, #tpu.memory_space<vmem>> -> memref<128xi32, #tpu.memory_space<vmem>>
      %dma_start3A_84 = arith.constant 0 : i32
      %dma_start3A_85 = tpu.memref_slice %arg4[%add3A, %add3A_55, %dma_start3A_84] : memref<32x80x128xi32, #tpu.memory_space<hbm>> -> memref<1x1x128xi32, #tpu.memory_space<hbm>>
      %dma_start3A_86 = tpu.memref_squeeze %dma_start3A_85 : memref<1x1x128xi32, #tpu.memory_space<hbm>> -> memref<128xi32, #tpu.memory_space<hbm>>
      tpu.enqueue_dma source(%dma_start3A_86 : memref<128xi32, #tpu.memory_space<hbm>>) target(%dma_start3A_83 : memref<128xi32, #tpu.memory_space<vmem>>) target_semaphore(%arg15 : memref<!tpu.dma_semaphore, #tpu.memory_space<semaphore_mem>>)
      %dma_wait3A = arith.constant 0 : i32
      %dma_wait3A_87 = arith.constant 0 : i32
      %dma_wait3A_88 = tpu.memref_slice %arg9[%dma_wait3A, %dma_wait3A_87] : memref<128x128xf32, #tpu.memory_space<vmem>> -> memref<64x128xf32, #tpu.memory_space<vmem>>
      %dma_wait3A_89 = arith.constant 0 : i32
      %dma_wait3A_90 = tpu.memref_slice %arg7[%mul3A_53, %dma_wait3A_89] : memref<80x128xi32, #tpu.memory_space<vmem>> -> memref<1x64xi32, #tpu.memory_space<vmem>>
      %dma_wait3A_91 = tpu.memref_squeeze %dma_wait3A_90 : memref<1x64xi32, #tpu.memory_space<vmem>> -> memref<64xi32, #tpu.memory_space<vmem>>
      %dma_wait3A_92 = arith.constant 0 : i32
      %dma_wait3A_93 = arith.constant 0 : i32
      %dma_wait3A_94 = tpu.memref_slice %arg2[%dma_wait3A_92, %dma_wait3A_93] : memref<10000x128xf32, #tpu.memory_space<hbm>> -> memref<10000x128xf32, #tpu.memory_space<hbm>>
      tpu.wait_indirect_dma semaphore(%arg12 : memref<!tpu.dma_semaphore, #tpu.memory_space<semaphore_mem>>) src(%dma_wait3A_94 : memref<10000x128xf32, #tpu.memory_space<hbm>>) dst(%dma_wait3A_88 : memref<64x128xf32, #tpu.memory_space<vmem>>)
      %dma_wait3A_95 = arith.constant 64 : i32
      %dma_wait3A_96 = arith.constant 0 : i32
      %dma_wait3A_97 = tpu.memref_slice %arg9[%dma_wait3A_95, %dma_wait3A_96] : memref<128x128xf32, #tpu.memory_space<vmem>> -> memref<64x128xf32, #tpu.memory_space<vmem>>
      %dma_wait3A_98 = arith.constant 64 : i32
      %dma_wait3A_99 = tpu.memref_slice %arg7[%mul3A_53, %dma_wait3A_98] : memref<80x128xi32, #tpu.memory_space<vmem>> -> memref<1x64xi32, #tpu.memory_space<vmem>>
      %dma_wait3A_100 = tpu.memref_squeeze %dma_wait3A_99 : memref<1x64xi32, #tpu.memory_space<vmem>> -> memref<64xi32, #tpu.memory_space<vmem>>
      %dma_wait3A_101 = arith.constant 0 : i32
      %dma_wait3A_102 = arith.constant 0 : i32
      %dma_wait3A_103 = tpu.memref_slice %arg2[%dma_wait3A_101, %dma_wait3A_102] : memref<10000x128xf32, #tpu.memory_space<hbm>> -> memref<10000x128xf32, #tpu.memory_space<hbm>>
      tpu.wait_indirect_dma semaphore(%arg12 : memref<!tpu.dma_semaphore, #tpu.memory_space<semaphore_mem>>) src(%dma_wait3A_103 : memref<10000x128xf32, #tpu.memory_space<hbm>>) dst(%dma_wait3A_97 : memref<64x128xf32, #tpu.memory_space<vmem>>)
      %dma_wait3A_104 = arith.constant 0 : i32
      %dma_wait3A_105 = arith.constant 0 : i32
      %dma_wait3A_106 = tpu.memref_slice %arg8[%dma_wait3A_104, %dma_wait3A_105] : memref<2x128xi32, #tpu.memory_space<vmem>> -> memref<1x128xi32, #tpu.memory_space<vmem>>
      %dma_wait3A_107 = tpu.memref_squeeze %dma_wait3A_106 : memref<1x128xi32, #tpu.memory_space<vmem>> -> memref<128xi32, #tpu.memory_space<vmem>>
      %dma_wait3A_108 = arith.constant 0 : i32
      %dma_wait3A_109 = tpu.memref_slice %arg4[%add3A, %mul3A_53, %dma_wait3A_108] : memref<32x80x128xi32, #tpu.memory_space<hbm>> -> memref<1x1x128xi32, #tpu.memory_space<hbm>>
      %dma_wait3A_110 = tpu.memref_squeeze %dma_wait3A_109 : memref<1x1x128xi32, #tpu.memory_space<hbm>> -> memref<128xi32, #tpu.memory_space<hbm>>
      %dma_wait3A_111 = arith.constant 0 : i32
      %dma_wait3A_112 = tpu.memref_slice %arg8[%dma_wait3A_104, %dma_wait3A_111] : memref<2x128xi32, #tpu.memory_space<vmem>> -> memref<1x128xi32, #tpu.memory_space<vmem>>
      %dma_wait3A_113 = tpu.memref_squeeze %dma_wait3A_112 : memref<1x128xi32, #tpu.memory_space<vmem>> -> memref<128xi32, #tpu.memory_space<vmem>>
      %dma_wait3A_114 = arith.constant 0 : i32
      %dma_wait3A_115 = tpu.memref_slice %arg4[%add3A, %mul3A_53, %dma_wait3A_114] : memref<32x80x128xi32, #tpu.memory_space<hbm>> -> memref<1x1x128xi32, #tpu.memory_space<hbm>>
      %dma_wait3A_116 = tpu.memref_squeeze %dma_wait3A_115 : memref<1x1x128xi32, #tpu.memory_space<hbm>> -> memref<128xi32, #tpu.memory_space<hbm>>
      tpu.wait_dma2 semaphore(%arg14 : memref<!tpu.dma_semaphore, #tpu.memory_space<semaphore_mem>>) src(%dma_wait3A_116 : memref<128xi32, #tpu.memory_space<hbm>>) dst(%dma_wait3A_113 : memref<128xi32, #tpu.memory_space<vmem>>)
      %run_scoped3A = arith.constant 0 : i32
      "tpu.region"() ({
        %run_scoped3A_153 = tpu.sem_alloc : memref<!tpu.dma_semaphore, #tpu.memory_space<semaphore_mem>>
        %dma_start3A_154 = arith.constant 0 : i32
        %dma_start3A_155 = tpu.memref_slice %arg8[%run_scoped3A, %dma_start3A_154] : memref<2x128xi32, #tpu.memory_space<vmem>> -> memref<1x128xi32, #tpu.memory_space<vmem>>
        %dma_start3A_156 = tpu.memref_squeeze %dma_start3A_155 : memref<1x128xi32, #tpu.memory_space<vmem>> -> memref<128xi32, #tpu.memory_space<vmem>>
        %dma_start3A_157 = arith.constant 0 : i32
        %dma_start3A_158 = arith.constant 0 : i32
        %dma_start3A_159 = tpu.memref_slice %arg11[%dma_start3A_157, %dma_start3A_158] : memref<10112x128xf32, #tpu.memory_space<vmem_shared>> -> memref<10112x128xf32, #tpu.memory_space<vmem_shared>>
        tpu.enqueue_indirect_dma source(%arg9 : memref<128x128xf32, #tpu.memory_space<vmem>>) target(%dma_start3A_159 : memref<10112x128xf32, #tpu.memory_space<vmem_shared>>) offsets(%dma_start3A_156 : memref<128xi32, #tpu.memory_space<vmem>>) semaphore(%run_scoped3A_153 : memref<!tpu.dma_semaphore, #tpu.memory_space<semaphore_mem>>) {add = true}
        %dma_wait3A_160 = arith.constant 0 : i32
        %dma_wait3A_161 = tpu.memref_slice %arg8[%run_scoped3A, %dma_wait3A_160] : memref<2x128xi32, #tpu.memory_space<vmem>> -> memref<1x128xi32, #tpu.memory_space<vmem>>
        %dma_wait3A_162 = tpu.memref_squeeze %dma_wait3A_161 : memref<1x128xi32, #tpu.memory_space<vmem>> -> memref<128xi32, #tpu.memory_space<vmem>>
        %dma_wait3A_163 = arith.constant 0 : i32
        %dma_wait3A_164 = arith.constant 0 : i32
        %dma_wait3A_165 = tpu.memref_slice %arg11[%dma_wait3A_163, %dma_wait3A_164] : memref<10112x128xf32, #tpu.memory_space<vmem_shared>> -> memref<10112x128xf32, #tpu.memory_space<vmem_shared>>
        tpu.wait_indirect_dma semaphore(%run_scoped3A_153 : memref<!tpu.dma_semaphore, #tpu.memory_space<semaphore_mem>>) src(%arg9 : memref<128x128xf32, #tpu.memory_space<vmem>>) dst(%dma_wait3A_165 : memref<10112x128xf32, #tpu.memory_space<vmem_shared>>)
        tpu.yield
      }) : () -> ()
      %lt3A = arith.constant 39 : i32
      %lt3A_117 = arith.cmpi slt, %scan3A_51, %lt3A : i32
      %convert_element_type3A = arith.extui %lt3A_117 : i1 to i32
      %cond3A = arith.constant 0 : i32
      %cond3A_118 = arith.cmpi ne, %convert_element_type3A, %cond3A : i32
      scf.if %cond3A_118 {
        %add3A_153 = arith.constant 2 : i32
        %add3A_154 = arith.addi %mul3A_53, %add3A_153 : i32
        %dma_start3A_155 = arith.constant 0 : i32
        %dma_start3A_156 = arith.constant 0 : i32
        %dma_start3A_157 = tpu.memref_slice %arg9[%dma_start3A_155, %dma_start3A_156] : memref<128x128xf32, #tpu.memory_space<vmem>> -> memref<64x128xf32, #tpu.memory_space<vmem>>
        %dma_start3A_158 = arith.constant 0 : i32
        %dma_start3A_159 = tpu.memref_slice %arg7[%add3A_154, %dma_start3A_158] : memref<80x128xi32, #tpu.memory_space<vmem>> -> memref<1x64xi32, #tpu.memory_space<vmem>>
        %dma_start3A_160 = tpu.memref_squeeze %dma_start3A_159 : memref<1x64xi32, #tpu.memory_space<vmem>> -> memref<64xi32, #tpu.memory_space<vmem>>
        %dma_start3A_161 = arith.constant 0 : i32
        %dma_start3A_162 = arith.constant 0 : i32
        %dma_start3A_163 = tpu.memref_slice %arg2[%dma_start3A_161, %dma_start3A_162] : memref<10000x128xf32, #tpu.memory_space<hbm>> -> memref<10000x128xf32, #tpu.memory_space<hbm>>
        tpu.enqueue_indirect_dma source(%dma_start3A_163 : memref<10000x128xf32, #tpu.memory_space<hbm>>) target(%dma_start3A_157 : memref<64x128xf32, #tpu.memory_space<vmem>>) offsets(%dma_start3A_160 : memref<64xi32, #tpu.memory_space<vmem>>) semaphore(%arg12 : memref<!tpu.dma_semaphore, #tpu.memory_space<semaphore_mem>>)
        %dma_start3A_164 = arith.constant 64 : i32
        %dma_start3A_165 = arith.constant 0 : i32
        %dma_start3A_166 = tpu.memref_slice %arg9[%dma_start3A_164, %dma_start3A_165] : memref<128x128xf32, #tpu.memory_space<vmem>> -> memref<64x128xf32, #tpu.memory_space<vmem>>
        %dma_start3A_167 = arith.constant 64 : i32
        %dma_start3A_168 = tpu.memref_slice %arg7[%add3A_154, %dma_start3A_167] : memref<80x128xi32, #tpu.memory_space<vmem>> -> memref<1x64xi32, #tpu.memory_space<vmem>>
        %dma_start3A_169 = tpu.memref_squeeze %dma_start3A_168 : memref<1x64xi32, #tpu.memory_space<vmem>> -> memref<64xi32, #tpu.memory_space<vmem>>
        %dma_start3A_170 = arith.constant 0 : i32
        %dma_start3A_171 = arith.constant 0 : i32
        %dma_start3A_172 = tpu.memref_slice %arg2[%dma_start3A_170, %dma_start3A_171] : memref<10000x128xf32, #tpu.memory_space<hbm>> -> memref<10000x128xf32, #tpu.memory_space<hbm>>
        tpu.enqueue_indirect_dma source(%dma_start3A_172 : memref<10000x128xf32, #tpu.memory_space<hbm>>) target(%dma_start3A_166 : memref<64x128xf32, #tpu.memory_space<vmem>>) offsets(%dma_start3A_169 : memref<64xi32, #tpu.memory_space<vmem>>) semaphore(%arg12 : memref<!tpu.dma_semaphore, #tpu.memory_space<semaphore_mem>>)
        %dma_start3A_173 = arith.constant 0 : i32
        %dma_start3A_174 = arith.constant 0 : i32
        %dma_start3A_175 = tpu.memref_slice %arg8[%dma_start3A_173, %dma_start3A_174] : memref<2x128xi32, #tpu.memory_space<vmem>> -> memref<1x128xi32, #tpu.memory_space<vmem>>
        %dma_start3A_176 = tpu.memref_squeeze %dma_start3A_175 : memref<1x128xi32, #tpu.memory_space<vmem>> -> memref<128xi32, #tpu.memory_space<vmem>>
        %dma_start3A_177 = arith.constant 0 : i32
        %dma_start3A_178 = tpu.memref_slice %arg4[%add3A, %add3A_154, %dma_start3A_177] : memref<32x80x128xi32, #tpu.memory_space<hbm>> -> memref<1x1x128xi32, #tpu.memory_space<hbm>>
        %dma_start3A_179 = tpu.memref_squeeze %dma_start3A_178 : memref<1x1x128xi32, #tpu.memory_space<hbm>> -> memref<128xi32, #tpu.memory_space<hbm>>
        %dma_start3A_180 = arith.constant 0 : i32
        %dma_start3A_181 = tpu.memref_slice %arg8[%dma_start3A_173, %dma_start3A_180] : memref<2x128xi32, #tpu.memory_space<vmem>> -> memref<1x128xi32, #tpu.memory_space<vmem>>
        %dma_start3A_182 = tpu.memref_squeeze %dma_start3A_181 : memref<1x128xi32, #tpu.memory_space<vmem>> -> memref<128xi32, #tpu.memory_space<vmem>>
        %dma_start3A_183 = arith.constant 0 : i32
        %dma_start3A_184 = tpu.memref_slice %arg4[%add3A, %add3A_154, %dma_start3A_183] : memref<32x80x128xi32, #tpu.memory_space<hbm>> -> memref<1x1x128xi32, #tpu.memory_space<hbm>>
        %dma_start3A_185 = tpu.memref_squeeze %dma_start3A_184 : memref<1x1x128xi32, #tpu.memory_space<hbm>> -> memref<128xi32, #tpu.memory_space<hbm>>
        tpu.enqueue_dma source(%dma_start3A_185 : memref<128xi32, #tpu.memory_space<hbm>>) target(%dma_start3A_182 : memref<128xi32, #tpu.memory_space<vmem>>) target_semaphore(%arg14 : memref<!tpu.dma_semaphore, #tpu.memory_space<semaphore_mem>>)
      } else {
      }
      %add3A_119 = arith.constant 1 : i32
      %add3A_120 = arith.addi %mul3A_53, %add3A_119 : i32
      %dma_wait3A_121 = arith.constant 0 : i32
      %dma_wait3A_122 = arith.constant 0 : i32
      %dma_wait3A_123 = tpu.memref_slice %arg10[%dma_wait3A_121, %dma_wait3A_122] : memref<128x128xf32, #tpu.memory_space<vmem>> -> memref<64x128xf32, #tpu.memory_space<vmem>>
      %dma_wait3A_124 = arith.constant 0 : i32
      %dma_wait3A_125 = tpu.memref_slice %arg7[%add3A_120, %dma_wait3A_124] : memref<80x128xi32, #tpu.memory_space<vmem>> -> memref<1x64xi32, #tpu.memory_space<vmem>>
      %dma_wait3A_126 = tpu.memref_squeeze %dma_wait3A_125 : memref<1x64xi32, #tpu.memory_space<vmem>> -> memref<64xi32, #tpu.memory_space<vmem>>
      %dma_wait3A_127 = arith.constant 0 : i32
      %dma_wait3A_128 = arith.constant 0 : i32
      %dma_wait3A_129 = tpu.memref_slice %arg2[%dma_wait3A_127, %dma_wait3A_128] : memref<10000x128xf32, #tpu.memory_space<hbm>> -> memref<10000x128xf32, #tpu.memory_space<hbm>>
      tpu.wait_indirect_dma semaphore(%arg13 : memref<!tpu.dma_semaphore, #tpu.memory_space<semaphore_mem>>) src(%dma_wait3A_129 : memref<10000x128xf32, #tpu.memory_space<hbm>>) dst(%dma_wait3A_123 : memref<64x128xf32, #tpu.memory_space<vmem>>)
      %dma_wait3A_130 = arith.constant 64 : i32
      %dma_wait3A_131 = arith.constant 0 : i32
      %dma_wait3A_132 = tpu.memref_slice %arg10[%dma_wait3A_130, %dma_wait3A_131] : memref<128x128xf32, #tpu.memory_space<vmem>> -> memref<64x128xf32, #tpu.memory_space<vmem>>
      %dma_wait3A_133 = arith.constant 64 : i32
      %dma_wait3A_134 = tpu.memref_slice %arg7[%add3A_120, %dma_wait3A_133] : memref<80x128xi32, #tpu.memory_space<vmem>> -> memref<1x64xi32, #tpu.memory_space<vmem>>
      %dma_wait3A_135 = tpu.memref_squeeze %dma_wait3A_134 : memref<1x64xi32, #tpu.memory_space<vmem>> -> memref<64xi32, #tpu.memory_space<vmem>>
      %dma_wait3A_136 = arith.constant 0 : i32
      %dma_wait3A_137 = arith.constant 0 : i32
      %dma_wait3A_138 = tpu.memref_slice %arg2[%dma_wait3A_136, %dma_wait3A_137] : memref<10000x128xf32, #tpu.memory_space<hbm>> -> memref<10000x128xf32, #tpu.memory_space<hbm>>
      tpu.wait_indirect_dma semaphore(%arg13 : memref<!tpu.dma_semaphore, #tpu.memory_space<semaphore_mem>>) src(%dma_wait3A_138 : memref<10000x128xf32, #tpu.memory_space<hbm>>) dst(%dma_wait3A_132 : memref<64x128xf32, #tpu.memory_space<vmem>>)
      %dma_wait3A_139 = arith.constant 1 : i32
      %dma_wait3A_140 = arith.constant 0 : i32
      %dma_wait3A_141 = tpu.memref_slice %arg8[%dma_wait3A_139, %dma_wait3A_140] : memref<2x128xi32, #tpu.memory_space<vmem>> -> memref<1x128xi32, #tpu.memory_space<vmem>>
      %dma_wait3A_142 = tpu.memref_squeeze %dma_wait3A_141 : memref<1x128xi32, #tpu.memory_space<vmem>> -> memref<128xi32, #tpu.memory_space<vmem>>
      %dma_wait3A_143 = arith.constant 0 : i32
      %dma_wait3A_144 = tpu.memref_slice %arg4[%add3A, %add3A_120, %dma_wait3A_143] : memref<32x80x128xi32, #tpu.memory_space<hbm>> -> memref<1x1x128xi32, #tpu.memory_space<hbm>>
      %dma_wait3A_145 = tpu.memref_squeeze %dma_wait3A_144 : memref<1x1x128xi32, #tpu.memory_space<hbm>> -> memref<128xi32, #tpu.memory_space<hbm>>
      %dma_wait3A_146 = arith.constant 0 : i32
      %dma_wait3A_147 = tpu.memref_slice %arg8[%dma_wait3A_139, %dma_wait3A_146] : memref<2x128xi32, #tpu.memory_space<vmem>> -> memref<1x128xi32, #tpu.memory_space<vmem>>
      %dma_wait3A_148 = tpu.memref_squeeze %dma_wait3A_147 : memref<1x128xi32, #tpu.memory_space<vmem>> -> memref<128xi32, #tpu.memory_space<vmem>>
      %dma_wait3A_149 = arith.constant 0 : i32
      %dma_wait3A_150 = tpu.memref_slice %arg4[%add3A, %add3A_120, %dma_wait3A_149] : memref<32x80x128xi32, #tpu.memory_space<hbm>> -> memref<1x1x128xi32, #tpu.memory_space<hbm>>
      %dma_wait3A_151 = tpu.memref_squeeze %dma_wait3A_150 : memref<1x1x128xi32, #tpu.memory_space<hbm>> -> memref<128xi32, #tpu.memory_space<hbm>>
      tpu.wait_dma2 semaphore(%arg15 : memref<!tpu.dma_semaphore, #tpu.memory_space<semaphore_mem>>) src(%dma_wait3A_151 : memref<128xi32, #tpu.memory_space<hbm>>) dst(%dma_wait3A_148 : memref<128xi32, #tpu.memory_space<vmem>>)
      %run_scoped3A_152 = arith.constant 1 : i32
      "tpu.region"() ({
        %run_scoped3A_153 = tpu.sem_alloc : memref<!tpu.dma_semaphore, #tpu.memory_space<semaphore_mem>>
        %dma_start3A_154 = arith.constant 0 : i32
        %dma_start3A_155 = tpu.memref_slice %arg8[%run_scoped3A_152, %dma_start3A_154] : memref<2x128xi32, #tpu.memory_space<vmem>> -> memref<1x128xi32, #tpu.memory_space<vmem>>
        %dma_start3A_156 = tpu.memref_squeeze %dma_start3A_155 : memref<1x128xi32, #tpu.memory_space<vmem>> -> memref<128xi32, #tpu.memory_space<vmem>>
        %dma_start3A_157 = arith.constant 0 : i32
        %dma_start3A_158 = arith.constant 0 : i32
        %dma_start3A_159 = tpu.memref_slice %arg11[%dma_start3A_157, %dma_start3A_158] : memref<10112x128xf32, #tpu.memory_space<vmem_shared>> -> memref<10112x128xf32, #tpu.memory_space<vmem_shared>>
        tpu.enqueue_indirect_dma source(%arg10 : memref<128x128xf32, #tpu.memory_space<vmem>>) target(%dma_start3A_159 : memref<10112x128xf32, #tpu.memory_space<vmem_shared>>) offsets(%dma_start3A_156 : memref<128xi32, #tpu.memory_space<vmem>>) semaphore(%run_scoped3A_153 : memref<!tpu.dma_semaphore, #tpu.memory_space<semaphore_mem>>) {add = true}
        %dma_wait3A_160 = arith.constant 0 : i32
        %dma_wait3A_161 = tpu.memref_slice %arg8[%run_scoped3A_152, %dma_wait3A_160] : memref<2x128xi32, #tpu.memory_space<vmem>> -> memref<1x128xi32, #tpu.memory_space<vmem>>
        %dma_wait3A_162 = tpu.memref_squeeze %dma_wait3A_161 : memref<1x128xi32, #tpu.memory_space<vmem>> -> memref<128xi32, #tpu.memory_space<vmem>>
        %dma_wait3A_163 = arith.constant 0 : i32
        %dma_wait3A_164 = arith.constant 0 : i32
        %dma_wait3A_165 = tpu.memref_slice %arg11[%dma_wait3A_163, %dma_wait3A_164] : memref<10112x128xf32, #tpu.memory_space<vmem_shared>> -> memref<10112x128xf32, #tpu.memory_space<vmem_shared>>
        tpu.wait_indirect_dma semaphore(%run_scoped3A_153 : memref<!tpu.dma_semaphore, #tpu.memory_space<semaphore_mem>>) src(%arg10 : memref<128x128xf32, #tpu.memory_space<vmem>>) dst(%dma_wait3A_165 : memref<10112x128xf32, #tpu.memory_space<vmem_shared>>)
        tpu.yield
      }) : () -> ()
    }
    %scan3A_42 = arith.constant 40 : i32
    %barrier3A_43 = arith.constant 0 : index
    tpu.barrier barrier_id(%barrier3A_43)
    %mul3A_44 = arith.constant 632 : i32
    %mul3A_45 = arith.muli %arg1, %mul3A_44 : i32
    %mul3A_46 = arith.constant 10112 : i32
    %mul3A_47 = arith.muli %arg0, %mul3A_46 : i32
    %mul3A_48 = arith.constant 632 : i32
    %mul3A_49 = arith.muli %arg1, %mul3A_48 : i32
    %add3A_50 = arith.addi %mul3A_47, %mul3A_49 : i32
    "tpu.region"() ({
      %run_scoped3A = tpu.sem_alloc : memref<!tpu.dma_semaphore, #tpu.memory_space<semaphore_mem>>
      %dma_start3A_51 = arith.constant 0 : i32
      %dma_start3A_52 = tpu.memref_slice %arg6[%add3A_50, %dma_start3A_51] : memref<20224x128xf32, #tpu.memory_space<hbm>> -> memref<632x128xf32, #tpu.memory_space<hbm>>
      %dma_start3A_53 = arith.constant 0 : i32
      %dma_start3A_54 = tpu.memref_slice %arg11[%mul3A_45, %dma_start3A_53] : memref<10112x128xf32, #tpu.memory_space<vmem_shared>> -> memref<632x128xf32, #tpu.memory_space<vmem_shared>>
      tpu.enqueue_dma source(%dma_start3A_54 : memref<632x128xf32, #tpu.memory_space<vmem_shared>>) target(%dma_start3A_52 : memref<632x128xf32, #tpu.memory_space<hbm>>) target_semaphore(%run_scoped3A : memref<!tpu.dma_semaphore, #tpu.memory_space<semaphore_mem>>)
      %dma_wait3A = arith.constant 0 : i32
      %dma_wait3A_55 = tpu.memref_slice %arg6[%add3A_50, %dma_wait3A] : memref<20224x128xf32, #tpu.memory_space<hbm>> -> memref<632x128xf32, #tpu.memory_space<hbm>>
      %dma_wait3A_56 = arith.constant 0 : i32
      %dma_wait3A_57 = tpu.memref_slice %arg11[%mul3A_45, %dma_wait3A_56] : memref<10112x128xf32, #tpu.memory_space<vmem_shared>> -> memref<632x128xf32, #tpu.memory_space<vmem_shared>>
      tpu.wait_dma2 semaphore(%run_scoped3A : memref<!tpu.dma_semaphore, #tpu.memory_space<semaphore_mem>>) src(%dma_wait3A_57 : memref<632x128xf32, #tpu.memory_space<vmem_shared>>) dst(%dma_wait3A_55 : memref<632x128xf32, #tpu.memory_space<hbm>>)
      tpu.yield
    }) : () -> ()
    return
  }
}

module attributes {stable_mosaic.version = 14 : i64} {
  func.func @_tc_layer_body(%arg0: memref<10000x128xf32, #tpu.memory_space<vmem>>, %arg1: memref<20224x128xf32, #tpu.memory_space<vmem>>, %arg2: memref<128x128xf32, #tpu.memory_space<vmem>>, %arg3: memref<1x128xf32, #tpu.memory_space<vmem>>, %arg4: memref<128x128xf32, #tpu.memory_space<vmem>>, %arg5: memref<1x128xf32, #tpu.memory_space<vmem>>, %arg6: memref<1x128xf32, #tpu.memory_space<vmem>>, %arg7: memref<1x128xf32, #tpu.memory_space<vmem>>, %arg8: memref<10000x128xf32, #tpu.memory_space<vmem>>) attributes {dimension_semantics = [], scalar_prefetch = 0 : i64, scratch_operands = 0 : i64, tpu.core_type = #tpu.core_type<tc>} {
    %get3A = arith.constant 0 : index
    %get3A_0 = arith.constant 0 : index
    %get3A_1 = vector.load %arg1[%get3A, %get3A_0] : memref<20224x128xf32, #tpu.memory_space<vmem>>, vector<10000x128xf32>
    %get3A_2 = arith.constant 10112 : index
    %get3A_3 = arith.constant 0 : index
    %get3A_4 = vector.load %arg1[%get3A_2, %get3A_3] : memref<20224x128xf32, #tpu.memory_space<vmem>>, vector<10000x128xf32>
    %get3A_5 = arith.constant 0 : index
    %get3A_6 = arith.constant 0 : index
    %get3A_7 = vector.load %arg0[%get3A_5, %get3A_6] : memref<10000x128xf32, #tpu.memory_space<vmem>>, vector<10000x128xf32>
    %add3A = arith.addf %get3A_7, %get3A_1 : vector<10000x128xf32>
    %add3A_8 = arith.addf %add3A, %get3A_4 : vector<10000x128xf32>
    %get3A_9 = arith.constant 0 : index
    %get3A_10 = arith.constant 0 : index
    %get3A_11 = vector.load %arg2[%get3A_9, %get3A_10] : memref<128x128xf32, #tpu.memory_space<vmem>>, vector<128x128xf32>
    %dot_general3A = arith.constant dense<0.000000e+00> : vector<10000x128xf32>
    %dot_general3A_12 = tpu.matmul %add3A_8, %get3A_11, %dot_general3A {dimension_numbers = #tpu.dot_dimension_numbers<[1], [0], [0], [1], [0, 0, 1, 1], [], []>, transpose_lhs_hint = false} : vector<10000x128xf32>, vector<128x128xf32>, vector<10000x128xf32> -> vector<10000x128xf32>
    %get3A_13 = arith.constant 0 : index
    %get3A_14 = arith.constant 0 : index
    %get3A_15 = vector.load %arg3[%get3A_13, %get3A_14] : memref<1x128xf32, #tpu.memory_space<vmem>>, vector<1x128xf32>
    %add3A_16 = vector.broadcast %get3A_15 : vector<1x128xf32> to vector<10000x128xf32>
    %add3A_17 = arith.addf %dot_general3A_12, %add3A_16 : vector<10000x128xf32>
    %max3A = arith.constant 0.000000e+00 : f32
    %max3A_18 = vector.broadcast %max3A : f32 to vector<10000x128xf32>
    %max3A_19 = arith.maximumf %add3A_17, %max3A_18 : vector<10000x128xf32>
    %get3A_20 = arith.constant 0 : index
    %get3A_21 = arith.constant 0 : index
    %get3A_22 = vector.load %arg4[%get3A_20, %get3A_21] : memref<128x128xf32, #tpu.memory_space<vmem>>, vector<128x128xf32>
    %dot_general3A_23 = arith.constant dense<0.000000e+00> : vector<10000x128xf32>
    %dot_general3A_24 = tpu.matmul %max3A_19, %get3A_22, %dot_general3A_23 {dimension_numbers = #tpu.dot_dimension_numbers<[1], [0], [0], [1], [0, 0, 1, 1], [], []>, transpose_lhs_hint = false} : vector<10000x128xf32>, vector<128x128xf32>, vector<10000x128xf32> -> vector<10000x128xf32>
    %get3A_25 = arith.constant 0 : index
    %get3A_26 = arith.constant 0 : index
    %get3A_27 = vector.load %arg5[%get3A_25, %get3A_26] : memref<1x128xf32, #tpu.memory_space<vmem>>, vector<1x128xf32>
    %add3A_28 = vector.broadcast %get3A_27 : vector<1x128xf32> to vector<10000x128xf32>
    %add3A_29 = arith.addf %dot_general3A_24, %add3A_28 : vector<10000x128xf32>
    %max3A_30 = arith.constant 0.000000e+00 : f32
    %max3A_31 = vector.broadcast %max3A_30 : f32 to vector<10000x128xf32>
    %max3A_32 = arith.maximumf %add3A_29, %max3A_31 : vector<10000x128xf32>
    %reduce_sum3A = arith.constant dense<0.000000e+00> : vector<128xf32>
    %reduce_sum3A_33 = vector.multi_reduction <add>, %max3A_32, %reduce_sum3A [0] : vector<10000x128xf32> to vector<128xf32>
    %broadcast_in_dim3A = vector.shape_cast %reduce_sum3A_33 : vector<128xf32> to vector<1x128xf32>
    %div3A = arith.constant 1.000000e+04 : f32
    %div3A_34 = vector.broadcast %div3A : f32 to vector<1x128xf32>
    %div3A_35 = arith.divf %broadcast_in_dim3A, %div3A_34 : vector<1x128xf32>
    %sub3A = vector.broadcast %div3A_35 : vector<1x128xf32> to vector<10000x128xf32>
    %sub3A_36 = arith.subf %max3A_32, %sub3A : vector<10000x128xf32>
    %square3A = arith.mulf %sub3A_36, %sub3A_36 : vector<10000x128xf32>
    %reduce_sum3A_37 = arith.constant dense<0.000000e+00> : vector<128xf32>
    %reduce_sum3A_38 = vector.multi_reduction <add>, %square3A, %reduce_sum3A_37 [0] : vector<10000x128xf32> to vector<128xf32>
    %broadcast_in_dim3A_39 = vector.shape_cast %reduce_sum3A_38 : vector<128xf32> to vector<1x128xf32>
    %div3A_40 = arith.constant 1.000000e+04 : f32
    %div3A_41 = vector.broadcast %div3A_40 : f32 to vector<1x128xf32>
    %div3A_42 = arith.divf %broadcast_in_dim3A_39, %div3A_41 : vector<1x128xf32>
    %get3A_43 = arith.constant 0 : index
    %get3A_44 = arith.constant 0 : index
    %get3A_45 = vector.load %arg6[%get3A_43, %get3A_44] : memref<1x128xf32, #tpu.memory_space<vmem>>, vector<1x128xf32>
    %sub3A_46 = vector.broadcast %div3A_35 : vector<1x128xf32> to vector<10000x128xf32>
    %sub3A_47 = arith.subf %max3A_32, %sub3A_46 : vector<10000x128xf32>
    %mul3A = vector.broadcast %get3A_45 : vector<1x128xf32> to vector<10000x128xf32>
    %mul3A_48 = arith.mulf %mul3A, %sub3A_47 : vector<10000x128xf32>
    %add3A_49 = arith.constant 9.99999974E-6 : f32
    %add3A_50 = vector.broadcast %add3A_49 : f32 to vector<1x128xf32>
    %add3A_51 = arith.addf %div3A_42, %add3A_50 : vector<1x128xf32>
    %sqrt3A = math.sqrt %add3A_51 : vector<1x128xf32>
    %div3A_52 = vector.broadcast %sqrt3A : vector<1x128xf32> to vector<10000x128xf32>
    %div3A_53 = arith.divf %mul3A_48, %div3A_52 : vector<10000x128xf32>
    %get3A_54 = arith.constant 0 : index
    %get3A_55 = arith.constant 0 : index
    %get3A_56 = vector.load %arg7[%get3A_54, %get3A_55] : memref<1x128xf32, #tpu.memory_space<vmem>>, vector<1x128xf32>
    %add3A_57 = vector.broadcast %get3A_56 : vector<1x128xf32> to vector<10000x128xf32>
    %add3A_58 = arith.addf %div3A_53, %add3A_57 : vector<10000x128xf32>
    %swap3A = arith.constant 0 : index
    %swap3A_59 = arith.constant 0 : index
    %swap3A_60 = vector.load %arg8[%swap3A, %swap3A_59] : memref<10000x128xf32, #tpu.memory_space<vmem>>, vector<10000x128xf32>
    tpu.vector_store %arg8[%swap3A, %swap3A_59], %add3A_58 {strides = array<i32>} : memref<10000x128xf32, #tpu.memory_space<vmem>>, vector<10000x128xf32>,
    return
  }
}

module attributes {stable_mosaic.version = 14 : i64} {
  func.func @_tc_head_body(%arg0: memref<10000x128xf32, #tpu.memory_space<vmem>>, %arg1: memref<1x10000xi32, #tpu.memory_space<vmem>>, %arg2: memref<128x256xf32, #tpu.memory_space<vmem>>, %arg3: memref<1x256xf32, #tpu.memory_space<vmem>>, %arg4: memref<256x128xf32, #tpu.memory_space<vmem>>, %arg5: memref<1x128xf32, #tpu.memory_space<vmem>>, %arg6: memref<128x128xf32, #tpu.memory_space<vmem>>) attributes {dimension_semantics = [], scalar_prefetch = 0 : i64, scratch_operands = 0 : i64, tpu.core_type = #tpu.core_type<tc>} {
    %get3A = arith.constant 0 : index
    %get3A_0 = arith.constant 0 : index
    %get3A_1 = vector.load %arg1[%get3A, %get3A_0] : memref<1x10000xi32, #tpu.memory_space<vmem>>, vector<1x10000xi32>
    %iota3A = tpu.iota {dimensions = array<i32: 0>} : vector<128x10000xi32>
    %eq3A = vector.broadcast %get3A_1 : vector<1x10000xi32> to vector<128x10000xi32>
    %eq3A_2 = arith.cmpi eq, %iota3A, %eq3A : vector<128x10000xi32>
    %convert_element_type3A = arith.extui %eq3A_2 : vector<128x10000xi1> to vector<128x10000xi32>
    %convert_element_type3A_3 = arith.sitofp %convert_element_type3A : vector<128x10000xi32> to vector<128x10000xf32>
    %get3A_4 = arith.constant 0 : index
    %get3A_5 = arith.constant 0 : index
    %get3A_6 = vector.load %arg0[%get3A_4, %get3A_5] : memref<10000x128xf32, #tpu.memory_space<vmem>>, vector<10000x128xf32>
    %dot_general3A = arith.constant dense<0.000000e+00> : vector<128x128xf32>
    %dot_general3A_7 = tpu.matmul %convert_element_type3A_3, %get3A_6, %dot_general3A {dimension_numbers = #tpu.dot_dimension_numbers<[1], [0], [0], [1], [0, 0, 1, 1], [], []>, transpose_lhs_hint = false} : vector<128x10000xf32>, vector<10000x128xf32>, vector<128x128xf32> -> vector<128x128xf32>
    %get3A_8 = arith.constant 0 : index
    %get3A_9 = arith.constant 0 : index
    %get3A_10 = vector.load %arg2[%get3A_8, %get3A_9] : memref<128x256xf32, #tpu.memory_space<vmem>>, vector<128x256xf32>
    %dot_general3A_11 = arith.constant dense<0.000000e+00> : vector<128x256xf32>
    %dot_general3A_12 = tpu.matmul %dot_general3A_7, %get3A_10, %dot_general3A_11 {dimension_numbers = #tpu.dot_dimension_numbers<[1], [0], [0], [1], [0, 0, 1, 1], [], []>, transpose_lhs_hint = false} : vector<128x128xf32>, vector<128x256xf32>, vector<128x256xf32> -> vector<128x256xf32>
    %get3A_13 = arith.constant 0 : index
    %get3A_14 = arith.constant 0 : index
    %get3A_15 = vector.load %arg3[%get3A_13, %get3A_14] : memref<1x256xf32, #tpu.memory_space<vmem>>, vector<1x256xf32>
    %add3A = vector.broadcast %get3A_15 : vector<1x256xf32> to vector<128x256xf32>
    %add3A_16 = arith.addf %dot_general3A_12, %add3A : vector<128x256xf32>
    %get3A_17 = arith.constant 0 : index
    %get3A_18 = arith.constant 0 : index
    %get3A_19 = vector.load %arg4[%get3A_17, %get3A_18] : memref<256x128xf32, #tpu.memory_space<vmem>>, vector<256x128xf32>
    %dot_general3A_20 = arith.constant dense<0.000000e+00> : vector<128x128xf32>
    %dot_general3A_21 = tpu.matmul %add3A_16, %get3A_19, %dot_general3A_20 {dimension_numbers = #tpu.dot_dimension_numbers<[1], [0], [0], [1], [0, 0, 1, 1], [], []>, transpose_lhs_hint = false} : vector<128x256xf32>, vector<256x128xf32>, vector<128x128xf32> -> vector<128x128xf32>
    %get3A_22 = arith.constant 0 : index
    %get3A_23 = arith.constant 0 : index
    %get3A_24 = vector.load %arg5[%get3A_22, %get3A_23] : memref<1x128xf32, #tpu.memory_space<vmem>>, vector<1x128xf32>
    %add3A_25 = vector.broadcast %get3A_24 : vector<1x128xf32> to vector<128x128xf32>
    %add3A_26 = arith.addf %dot_general3A_21, %add3A_25 : vector<128x128xf32>
    %max3A = arith.constant 0.000000e+00 : f32
    %max3A_27 = vector.broadcast %max3A : f32 to vector<128x128xf32>
    %max3A_28 = arith.maximumf %add3A_26, %max3A_27 : vector<128x128xf32>
    %swap3A = arith.constant 0 : index
    %swap3A_29 = arith.constant 0 : index
    %swap3A_30 = vector.load %arg6[%swap3A, %swap3A_29] : memref<128x128xf32, #tpu.memory_space<vmem>>, vector<128x128xf32>
    tpu.vector_store %arg6[%swap3A, %swap3A_29], %max3A_28 {strides = array<i32>} : memref<128x128xf32, #tpu.memory_space<vmem>>, vector<128x128xf32>,
    return
  }
}

</mosaic_0001>

<sc_bundles>
// kernel: kernel.12.cloned.1.call-start
scs
__scs_entry_jumppad:
0x0: {  	(pc) =	sbr.rel $0x88, $3  }
0x1: {  	(tag) =	ssettag $0x0;
	lr =	simm.s32 $0x1  }
0x2: {  	[smem:$0x3F88] =	sst lr;
	_ =	strace $0xD0000000  }
0x3: {  	_ = 	snop  }
0x4: {  	_ = 	snop  }
0x5: {  	_ = 	snop  }
0x6: {  	_ = 	snop  }
0x7: {  	_ = 	snop  }
__scs_overlays_trampoline_lowered:
0x8: {  	[smem:$0x3F97] =	sst s0  }
0x9: {  	[smem:$0x3F98] =	sst s1  }
0xa: {  	[smem:$0x3F99] =	sst s2  }
0xb: {  	[smem:$0x3F9A] =	sst s3  }
0xc: {  	[smem:$0x3F9B] =	sst s4  }
0xd: {  	[smem:$0x3F9C] =	sst s5  }
0xe: {  	[smem:$0x3F9D] =	sst s6  }
0xf: {  	[smem:$0x3F9E] =	sst s7  }
0x10: {  	[smem:$0x3F9F] =	sst s8  }
0x11: {  	[smem:$0x3FA0] =	sst s9;
	s0 =	simm.s32 @!p0 $0x0  }
0x12: {  	s1 =	sld [smem:$0x3F86];
	s0 =	simm.s32 @p0 $0x1  }
0x13: {  	[smem:$0x3FA1] =	sst s0;
	s0 =	simm.s32 @!p1 $0x0  }
0x14: {  	s2 =	sld [smem:$0x3F85];
	s0 =	simm.s32 @p1 $0x1  }
0x15: {  	[smem:$0x3FA2] =	sst s0;
	s0 =	simm.s32 @!p2 $0x0  }
0x16: {  	s3 =	sld [smem:$0x3FDB];
	s0 =	simm.s32 @p2 $0x1  }
0x17: {  	s4 =	simm.s32 $0x1BF5;
	[smem:$0x3FA4] =	sst s0  }
0x18: {  	s0 =	sld [smem:$0x3F87];
	_ =	swait.ge [sflag:s4], $0x0  }
0x19: {  	s7 =	sld [smem:$0x3F88]  }
0x1a: {  	s8 =	sadd.s32 $0xFFFFE003, lr  }
0x1b: {  	s9 =	sadd.s32 $0xFFFFFEF7, lr;
	s5 =	simm.s32 $0xFFFFFFFF;
	p2 =	slt.u32 s8, $0xFFFFF086  }
0x1c: {  	p1 =	slt.u32 s9, $0xF7A;
	s5 =	simm.s32 @!p2 $0x0  }
0x1d: {  	s5 =	simm.s32 @p1 $0x1;
	p0 =	seq.s32 s7, s2  }
0x1e: {  	s7 =	smul.u32 @!p0 $0xF7A, s2;
	p2 =	seq.s32 @!p0 s5, $0x0  }
0x1f: {  	s9 =	smul.u32 $0xF7A, s1;
	s8 =	simm.s32 @!p0 $0x1BF5;
	p2 =	por !p2, p0  }
0x20: {  	[sflag:s8] =	ssyncset.s32 @!p0 $0xFFFFF086;
	s6 =	sadd.s32 @!p0 s3, s7;
	s7 =	simm.s32 @!p0 $0x108  }
0x21: {  	s3 =	sadd.s32 s3, s9;
	s6 =	sadd.s32 @!p0 $0x88, s6;
	s7 =	simm.s32 @p2 $0x1082  }
0x22: {  	[simem:s7], [sflag:s8] =	dma.local @!p0 [hbm:s6], $0xF7A  }
0x23: {  	s9 =	sor.u32 $0xD0000000, s2;
	s6 =	simm.s32 $0x108;
	_ =	swait.ge @!p0 [sflag:s8], $0x0  }
0x24: {  	s3 =	sadd.s32 $0x88, s3;
	s6 =	simm.s32 @!p1 $0x1082;
	[sflag:s4] =	ssyncset.s32 $0xFFFFF086  }
0x25: {  	[simem:s6], [sflag:s4] =	dma.local [hbm:s3], $0xF7A  }
0x26: {  	[smem:$0x3F88] =	sst s1;
	(tag) =	ssettag s2;
	_ =	strace s9  }
0x27: {  	s1 =	sld [smem:$0x3F98]  }
0x28: {  	s2 =	sld [smem:$0x3F99]  }
0x29: {  	s4 =	sld [smem:$0x3F9B]  }
0x2a: {  	p0 =	seq.s32 s5, $0x0;
	s5 =	sld [smem:$0x3F9C]  }
0x2b: {  	s6 =	sld [smem:$0x3F9D]  }
0x2c: {  	s7 =	sld [smem:$0x3F9E]  }
0x2d: {  	s3 =	simm.s32 $0x108;
	s8 =	sld [smem:$0x3F9F]  }
0x2e: {  	s3 =	simm.s32 @!p0 $0x1082;
	s9 =	sld [smem:$0x3FA0]  }
0x2f: {  	lr =	sadd.s32 s0, s3;
	s0 =	sld [smem:$0x3F97]  }
0x30: {  	s3 =	sld [smem:$0x3F9A]  }
0x31: {  	[smem:$0x3FA3] =	sst s10  }
0x32: {  	s10 =	sld [smem:$0x3FA1];
	_ =	sdelay $0x3  }
0x33: {  	p0 =	seq.s32 s10, $0x1;
	s10 =	sld [smem:$0x3FA3];
	_ =	sdelay $0x3  }
0x34: {  	[smem:$0x3FA3] =	sst s10  }
0x35: {  	s10 =	sld [smem:$0x3FA2];
	_ =	sdelay $0x3  }
0x36: {  	p1 =	seq.s32 s10, $0x1;
	s10 =	sld [smem:$0x3FA3];
	_ =	sdelay $0x3  }
0x37: {  	[smem:$0x3FA3] =	sst s10  }
0x38: {  	s10 =	sld [smem:$0x3FA4]  }
0x39: {  	_ = 	snop;
	(pc) =	sbr.ind lr, $3  }
0x3a: {  	_ = 	snop  }
0x3b: {  	_ = 	snop  }
0x3c: {  	p2 =	seq.s32 s10, $0x1;
	s10 =	sld [smem:$0x3FA3]  }
0x3d: {  	_ =	shalt  }
0x3e: {  	_ =	shalt  }
0x3f: {  	_ =	shalt  }
0x40: {  	_ =	shalt  }
0x41: {  	_ =	shalt  }
0x42: {  	_ =	shalt  }
0x43: {  	_ =	shalt  }
0x44: {  	_ =	shalt  }
0x45: {  	_ =	shalt  }
0x46: {  	_ =	shalt  }
0x47: {  	_ =	shalt  }
0x48: {  	_ =	shalt  }
0x49: {  	_ =	shalt  }
0x4a: {  	_ =	shalt  }
0x4b: {  	_ =	shalt  }
0x4c: {  	_ =	shalt  }
0x4d: {  	_ =	shalt  }
0x4e: {  	_ =	shalt  }
0x4f: {  	_ =	shalt  }
0x50: {  	_ =	shalt  }
0x51: {  	_ =	shalt  }
0x52: {  	_ =	shalt  }
0x53: {  	_ =	shalt  }
0x54: {  	_ =	shalt  }
0x55: {  	_ =	shalt  }
0x56: {  	_ =	shalt  }
0x57: {  	_ =	shalt  }
0x58: {  	_ =	shalt  }
0x59: {  	_ =	shalt  }
0x5a: {  	_ =	shalt  }
0x5b: {  	_ =	shalt  }
0x5c: {  	_ =	shalt  }
0x5d: {  	_ =	shalt  }
0x5e: {  	_ =	shalt  }
0x5f: {  	_ =	shalt  }
0x60: {  	_ =	shalt  }
0x61: {  	_ =	shalt  }
0x62: {  	_ =	shalt  }
0x63: {  	_ =	shalt  }
0x64: {  	_ =	shalt  }
0x65: {  	_ =	shalt  }
0x66: {  	_ =	shalt  }
0x67: {  	_ =	shalt  }
0x68: {  	_ =	shalt  }
0x69: {  	_ =	shalt  }
0x6a: {  	_ =	shalt  }
0x6b: {  	_ =	shalt  }
0x6c: {  	_ =	shalt  }
0x6d: {  	_ =	shalt  }
0x6e: {  	_ =	shalt  }
0x6f: {  	_ =	shalt  }
0x70: {  	_ =	shalt  }
0x71: {  	_ =	shalt  }
0x72: {  	_ =	shalt  }
0x73: {  	_ =	shalt  }
0x74: {  	_ =	shalt  }
0x75: {  	_ =	shalt  }
0x76: {  	_ =	shalt  }
0x77: {  	_ =	shalt  }
0x78: {  	_ =	shalt  }
0x79: {  	_ =	shalt  }
0x7a: {  	_ =	shalt  }
0x7b: {  	_ =	shalt  }
0x7c: {  	_ =	shalt  }
0x7d: {  	_ =	shalt  }
0x7e: {  	_ =	shalt  }
0x7f: {  	_ =	shalt  }
0x80: {  	_ =	shalt  }
0x81: {  	_ =	shalt  }
0x82: {  	_ =	shalt  }
0x83: {  	_ =	shalt  }
0x84: {  	_ =	shalt  }
0x85: {  	_ =	shalt  }
0x86: {  	_ =	shalt  }
0x87: {  	_ =	shalt  }
.Lfunc_end0:
.L_simem_size_0:
called_computation.1_lowered:
.L_overlay_start_0:
0x88: {  	s2 =	sld [smem:$0x3FD9]  }
0x89: {  	s3 =	sld [smem:$0x3FFE];
	_ =	sdelay $0x1  }
0x8a: {  	s1 =	srdreg.scid  }
0x8b: {  	s0 =	sand.u32 $0x1, s1  }
0x8c: {  	s16 =	sshll.u32 s0, $0xA;
	s2 =	sadd.s32 s3, s2  }
0x8d: {  	s2 =	sadd.s32 s2, s16  }
0x8e: {  	[smem:$0x3FAF] =	sst s2  }
0x8f: {  	_ = 	snop  }
0x90: {  	(tm) =	ssettm $0x1  }
0x91: {  	s17 =	sld [smem:$0x3FFB];
	_ =	sdelay $0x3  }
0x92: {  	_ =	strace s17  }
0x93: {  	s2 =	sld [smem:$0x3FFC];
	_ =	sdelay $0x3  }
0x94: {  	_ =	strace s2  }
0x95: {  	s2 =	sld [smem:$0x3FFD];
	_ =	sdelay $0x3  }
0x96: {  	_ =	strace s2  }
0x97: {  	_ =	strace $0x8FFFFFFF  }
0x98: {  	s18 =	sld [smem:$0x3FDB];
	_ =	sdelay $0x1  }
0x99: {  	s19 =	simm.s32 $_scs_section_size  }
0x9a: {  	s4 =	simm.s32 $_size__tile_overlayer_lowered;
	s5 =	simm.s32 $_tile_overlayer_lowered  }
0x9b: {  	s22 =	simm.s32 $0x1BFF;
	s21 =	sshll.u32 s5, $0x1;
	s2 =	sadd.s32 s19, s18  }
0x9c: {  	s6 =	simm.s32 $0x0;
	s20 =	sshll.u32 s4, $0x1;
	s4 =	sadd.s32 s21, s2  }
0x9d: {  	[timem:s6], [sflag:s22] =	dma.local [hbm:s4], s20  }
0x9e: {  	_ =	swait.ge [sflag:s22], s20  }
0x9f: {  	s3 =	ssub.s32 $0x0, s20;
	[sflag:s22] =	ssyncset.done $0x0  }
0xa0: {  	[sflag:s22] =	ssyncadd.s32 s3;
	_ =	sdelay $0x1  }
0xa1: {  	s23 =	simm.s32 $0x1B8B  }
0xa2: {  	_ =	swait.ge [sflag:s23], $0x1  }
0xa3: {  	[sflag:s23] =	ssyncset.done $0x0  }
0xa4: {  	s25 =	simm.s32 $0x1B8E;
	s24 =	sld [smem:$0x3FFE];
	[sflag:s23] =	ssyncadd.s32 $0xFFFFFFFF  }
0xa5: {  	s26 =	simm.s32 $execute0_lowered;
	[smem:$0x3FD2] =	sst s25  }
0xa6: {  	s4 =	sshll.u32 s26, $0x1;
	_ =	strace $0x80000049;
	[dreg:$0x1] =	wrdreg $0xFFFFFFFF  }
0xa7: {  	s28 =	simm.s32 $_size_execute0_lowered;
	s2 =	sadd.s32 s2, s4;
	[dreg:$0x0] =	wrdreg $0x0  }
0xa8: {  	s4 =	sshll.u32 s28, $0x1;
	[dreg:$0x2] =	wrdreg s2  }
0xa9: {  	[dreg:$0x3] =	wrdreg s4  }
0xaa: {  	[dreg:$0x4] =	wrdreg $0xC0  }
0xab: {  	_ =	task [dreg:s6], $0x5FFFF  }
0xac: {  	[dreg:$0x1] =	wrdreg $0xFFFFFFFF  }
0xad: {  	[dreg:$0x0] =	wrdreg $0x60  }
0xae: {  	[dreg:$0x2] =	wrdreg s24  }
0xaf: {  	[dreg:$0x3] =	wrdreg $0xA9000  }
0xb0: {  	[dreg:$0x4] =	wrdreg $0x9  }
0xb1: {  	_ =	task.clear_ibuf [dreg:s6], $0x5FFFF;
	_ =	strace $0x90000049  }
0xb2: {  	s29 =	simm.s32 $0x9;
	_ =	strace $0x8000004B  }
0xb3: {  	_ =	swait.ge [sflag:s29], $0x1  }
0xb4: {  	[sflag:s29] =	ssyncadd.s32 $0xFFFFFFFF  }
0xb5: {  	_ =	strace $0x9000004B  }
0xb6: {  	_ =	sfence  }
0xb7: {  	s30 =	sld [smem:$0x0];
	_ =	sdelay $0x2  }
0xb8: {  	s31 =	sshll.u32 s1, $0xD;
	s1 =	sshrl.u32 s1, $0x2  }
0xb9: {  	s3 =	sand.u32 $0x4000, s31;
	s1 =	sadd.s32 s1, s30  }
0xba: {  	s0 =	sor.u32 s3, s0;
	s1 =	sshll.u32 s1, $0x11  }
0xbb: {  	s0 =	sor.u32 s1, s0  }
0xbc: {  	s0 =	sadd.s32 $0x8F2B, s0  }
0xbd: {  	[sflag:s0] =	ssyncadd.remote.s32 $0x1  }
0xbe: {  	_ =	sfence.sel $0xFFFF  }
0xbf: {  	[dreg:$0x0] =	wrdreg $0xFFFFFFFF;
	(pc) =	sbr.abs _section_cstart, $3  }
0xc0: {  	[dreg:$0x1] =	wrdreg $0xFFFFFFFF  }
0xc1: {  	_ =	task.clear_ibuf [dreg:s6], $0x2FFFF;
	_ =	strace $0x9FFFFFFF  }
0xc2: {  	(tm) =	ssettm $0x7FFFFFFF  }
0xc3: {  	_ =	shalt  }
tec
execute0_lowered:
.L_overlay_start_1:
0x0: {  	(tag) =	ssettag $0x1  }
0x1: {  	s0 =	srdreg.scid;
	s1 =	rddreg [dreg:$0x0]  }
0x2: {  	s2 =	rddreg [dreg:$0x1];
	s13 =	stileid.u32  }
0x3: {  	s3 =	simm.s32 $0x0;
	s16 =	simm.s32 $0x40;
	s17 =	simm.s32 $0x2900  }
0x4: {  	s18 =	simm.s32 $0x4900;
	s19 =	simm.s32 $0x2800;
	s20 =	simm.s32 $0x6900  }
0x5: {  	s21 =	simm.s32 $0x8900;
	s22 =	simm.s32 $0x2880;
	s28 =	simm.s32 $0x4  }
0x6: {  	s31 =	simm.s32 $0x0;
	s0 =	sand.u32 $0x1, s0;
	[smem:$0x7FF] =	sst s3  }
0x7: {  	s7 =	smul.u32 $0x2780, s13;
	s5 =	sadd.s32 $0x40000, s1;
	s6 =	sadd.s32 $0xE800, s1  }
0x8: {  	s11 =	smul.u32 $0x4F000, s13;
	s30 =	sshll.u32 s13, $0x6;
	s4 =	sshll.u32 s0, $0x4  }
0x9: {  	_ =	strace $0x8000004A;
	s8 =	smul.u32 $0x27800, s0;
	s0 =	ssub.s32 $0x2, s0  }
0xa: {  	s14 =	sor.u32 $0x1C05, s30;
	s4 =	sor.u32 s13, s4;
	s12 =	sadd.s32 s7, s1  }
0xb: {  	s23 =	sshrl.u32 s0, $0x1;
	s24 =	sshrl.u32 s11, $0x2;
	s13 =	simm.s32 $0x5  }
0xc: {  	s4 =	smul.u32 $0x2800, s4;
	s7 =	sadd.s32 s7, s8;
	s0 =	ssub.s32 s0, s23  }
0xd: {  	s26 =	sadd.s32 s24, s2;
	s29 =	sadd.s32 $0x18800, s12;
	s23 =	simm.s32 $0x1  }
0xe: {  	s24 =	simm.s32 $0x3;
	[dreg:$0x4] =	wrdreg s29;
	s9 =	sshrl.u32 s4, $0x3  }
0xf: {  	s11 =	smax.u32 s0, $0x1;
	s15 =	sshrl.u32 s26, $0x3;
	s10 =	sadd.s32 s9, s1  }
0x10: {  	s26 =	simm.s32 $0x2;
	s1 =	sadd.s32 s7, s1;
	s25 =	sadd.s32 $0x4800, s10  }
0x11: {  	s9 =	sadd.s32 s6, s9;
	s1 =	sadd.s32 $0x67200, s1;
	[dreg:$0x3] =	wrdreg s25  }
0x12: {  	s12 =	sadd.s32 $0x4F0, s9;
	[dreg:$0x5] =	wrdreg s1;
	s25 =	simm.s32 $0x80  }
.LBB2_1:
0x13: {  	s0 =	rddreg [dreg:$0x3]  }
0x14: {  	[tilespmem:s3], [sflag:$0x5] =	stream.linear.gather [hbm4b:s0+s3], $0x2800, $0x38;
	[tilespmem:$0x1E500] =	vst v63  }
0x15: {  	_ =	swait.ge [sflag:s13], $0x2800  }
0x16: {  	[sflag:s13] =	ssyncset.done $0x0  }
0x17: {  	s1 =	rddreg [dreg:$0x4];
	[sflag:s13] =	ssyncadd.s32 $0xFFFFD800  }
0x18: {  	[spmem:s15], [sflag:s14] =	dma.local [hbm:s1], $0x2780  }
0x19: {  	_ =	swait.ge [sflag:s13], $0x2780  }
0x1a: {  	[sflag:s13] =	ssyncset.done $0x0  }
0x1b: {  	[sflag:s13] =	ssyncadd.s32 $0xFFFFD880  }
0x1c: {  	s7 =	simm.s32 $0x0;
	[bflag:$0x0] =	sbarrier.arrive $0xFFFF  }
0x1d: {  	[tilespmem:s17], [sflag:$0x1] =	stream.indirect.gather [hbm4b:s5+s16], $0x80, s3, s16, $0xb8;
	[tilespmem:$0x1E500] =	vst v63  }
0x1e: {  	s0 =	sand.u32 $0x3C00, s7;
	s1 =	simm.s32 $0x80  }
0x1f: {  	[tilespmem:s18], [sflag:$0x1] =	stream.indirect.gather [hbm4b:s5+s16], $0x80, s16, s16, $0xb8;
	[tilespmem:$0x1E500] =	vst v63  }
0x20: {  	s0 =	sadd.s32 s4, s0;
	s1 =	sand.u32 $0x380, s1  }
0x21: {  	[tilespmem:s19], [sflag:$0x3] =	stream.linear.gather [hbm4b:s9+s3], $0x80, $0x38;
	[tilespmem:$0x1E500] =	vst v63  }
0x22: {  	s8 =	simm.s32 $0x80;
	s0 =	sor.u32 s1, s0  }
0x23: {  	[tilespmem:s20], [sflag:$0x2] =	stream.indirect.gather [hbm4b:s5+s16], $0x80, s8, s16, $0xb8;
	[tilespmem:$0x1E500] =	vst v63  }
0x24: {  	s10 =	simm.s32 $0xC0;
	s0 =	sshrl.u32 s0, $0x3  }
0x25: {  	[tilespmem:s21], [sflag:$0x2] =	stream.indirect.gather [hbm4b:s5+s16], $0x80, s10, s16, $0xb8;
	[tilespmem:$0x1E500] =	vst v63  }
0x26: {  	s0 =	sadd.s32 s6, s0  }
0x27: {  	[tilespmem:s22], [sflag:$0x4] =	stream.linear.gather [hbm4b:s0+s3], $0x80, $0x38;
	[tilespmem:$0x1E500] =	vst v63  }
0x28: {  	_ =	swait.ge [sflag:s23], $0x2000  }
0x29: {  	[sflag:s23] =	ssyncset.done $0x0  }
0x2a: {  	[sflag:s23] =	ssyncadd.s32 $0xFFFFE000  }
0x2b: {  	_ =	swait.ge [sflag:s23], $0x2000  }
0x2c: {  	[sflag:s23] =	ssyncset.done $0x0  }
0x2d: {  	[sflag:s23] =	ssyncadd.s32 $0xFFFFE000  }
0x2e: {  	_ =	swait.ge [sflag:s24], $0x80  }
0x2f: {  	[sflag:s24] =	ssyncset.done $0x0  }
0x30: {  	s7 =	simm.s32 $0x100;
	[sflag:s24] =	ssyncadd.s32 $0xFFFFFF80  }
0x31: {  	[spmem:s2] =	stream.indirect.scatter.add.f32 [tilespmem:s17], [sflag:$0x5], $0x80, s19, s25, $0xb8;
	[tilespmem:$0x1E500] =	vst v63  }
0x32: {  	s8 =	sand.u32 $0x7C00, s7;
	_ =	swait.ge [sflag:s13], $0x4000  }
0x33: {  	s1 =	sadd.s32 s4, s8;
	s0 =	sand.u32 $0x300, s7;
	[sflag:s13] =	ssyncset.done $0x0  }
0x34: {  	s7 =	simm.s32 $0x100;
	s0 =	sor.u32 s0, s1;
	[sflag:s13] =	ssyncadd.s32 $0xFFFFC000  }
0x35: {  	[tilespmem:s17], [sflag:$0x1] =	stream.indirect.gather [hbm4b:s5+s16], $0x80, s7, s16, $0xb8;
	[tilespmem:$0x1E500] =	vst v63  }
0x36: {  	s10 =	simm.s32 $0x140;
	s0 =	sshrl.u32 s0, $0x3  }
0x37: {  	[tilespmem:s18], [sflag:$0x1] =	stream.indirect.gather [hbm4b:s5+s16], $0x80, s10, s16, $0xb8;
	[tilespmem:$0x1E500] =	vst v63  }
0x38: {  	s0 =	sadd.s32 s6, s0  }
0x39: {  	[tilespmem:s19], [sflag:$0x3] =	stream.linear.gather [hbm4b:s0+s3], $0x80, $0x38;
	[tilespmem:$0x1E500] =	vst v63  }
0x3a: {  	_ =	swait.ge [sflag:s26], $0x2000  }
0x3b: {  	[sflag:s26] =	ssyncset.done $0x0  }
0x3c: {  	[sflag:s26] =	ssyncadd.s32 $0xFFFFE000  }
0x3d: {  	_ =	swait.ge [sflag:s26], $0x2000  }
0x3e: {  	[sflag:s26] =	ssyncset.done $0x0  }
0x3f: {  	[sflag:s26] =	ssyncadd.s32 $0xFFFFE000  }
0x40: {  	s30 =	simm.s32 $0x100;
	s29 =	simm.s32 $0x100;
	_ =	swait.ge [sflag:s28], $0x80  }
0x41: {  	s30 =	sand.u32 $0x3C00, s30;
	s1 =	simm.s32 $0x800;
	[sflag:s28] =	ssyncset.done $0x0  }
0x42: {  	s7 =	simm.s32 $0x180;
	s0 =	simm.s32 $0x200;
	[sflag:s28] =	ssyncadd.s32 $0xFFFFFF80  }
.LBB2_2:
0x43: {  	[spmem:s2] =	stream.indirect.scatter.add.f32 [tilespmem:s20], [sflag:$0x5], $0x80, s22, s25, $0xb8;
	[tilespmem:$0x1E500] =	vst v63  }
0x44: {  	s30 =	sadd.s32 s4, s30;
	s7 =	sand.u32 $0x380, s7;
	_ =	swait.ge [sflag:s13], $0x4000  }
0x45: {  	s8 =	sadd.s32 $0xC0, s29;
	s7 =	sor.u32 s7, s30;
	[sflag:s13] =	ssyncset.done $0x0  }
0x46: {  	s30 =	sadd.s32 $0x80, s29;
	s7 =	sshrl.u32 s7, $0x3;
	[sflag:s13] =	ssyncadd.s32 $0xFFFFC000  }
0x47: {  	[tilespmem:s20], [sflag:$0x2] =	stream.indirect.gather [hbm4b:s5+s16], $0x80, s30, s16, $0xb8;
	[tilespmem:$0x1E500] =	vst v63  }
0x48: {  	p0 =	sne.s32 s1, $0x9800;
	s30 =	smov.u32 s1;
	s1 =	sadd.s32 $0x400, s1  }
0x49: {  	[tilespmem:s21], [sflag:$0x2] =	stream.indirect.gather [hbm4b:s5+s16], $0x80, s8, s16, $0xb8;
	[tilespmem:$0x1E500] =	vst v63  }
0x4a: {  	s7 =	sadd.s32 s6, s7  }
0x4b: {  	[tilespmem:s22], [sflag:$0x4] =	stream.linear.gather [hbm4b:s7+s3], $0x80, $0x38;
	[tilespmem:$0x1E500] =	vst v63  }
0x4c: {  	_ =	swait.ge [sflag:s23], $0x2000  }
0x4d: {  	[sflag:s23] =	ssyncset.done $0x0  }
0x4e: {  	[sflag:s23] =	ssyncadd.s32 $0xFFFFE000  }
0x4f: {  	_ =	swait.ge [sflag:s23], $0x2000  }
0x50: {  	[sflag:s23] =	ssyncset.done $0x0  }
0x51: {  	[sflag:s23] =	ssyncadd.s32 $0xFFFFE000  }
0x52: {  	_ =	swait.ge [sflag:s24], $0x80  }
0x53: {  	[sflag:s24] =	ssyncset.done $0x0  }
0x54: {  	s7 =	sand.u32 $0x300, s0;
	[sflag:s24] =	ssyncadd.s32 $0xFFFFFF80  }
0x55: {  	[spmem:s2] =	stream.indirect.scatter.add.f32 [tilespmem:s17], [sflag:$0x5], $0x80, s19, s25, $0xb8;
	[tilespmem:$0x1E500] =	vst v63  }
0x56: {  	s10 =	sand.u32 $0x7C00, s0;
	s8 =	sadd.s32 $0x100, s29;
	_ =	swait.ge [sflag:s13], $0x4000  }
0x57: {  	s10 =	sadd.s32 s4, s10;
	s29 =	sadd.s32 $0x140, s29;
	[sflag:s13] =	ssyncset.done $0x0  }
0x58: {  	s7 =	sor.u32 s7, s10;
	[sflag:s13] =	ssyncadd.s32 $0xFFFFC000  }
0x59: {  	[tilespmem:s17], [sflag:$0x1] =	stream.indirect.gather [hbm4b:s5+s16], $0x80, s8, s16, $0xb8;
	[tilespmem:$0x1E500] =	vst v63  }
0x5a: {  	s7 =	sshrl.u32 s7, $0x3  }
0x5b: {  	[tilespmem:s18], [sflag:$0x1] =	stream.indirect.gather [hbm4b:s5+s16], $0x80, s29, s16, $0xb8;
	[tilespmem:$0x1E500] =	vst v63  }
0x5c: {  	s7 =	sadd.s32 s6, s7  }
0x5d: {  	[tilespmem:s19], [sflag:$0x3] =	stream.linear.gather [hbm4b:s7+s3], $0x80, $0x38;
	[tilespmem:$0x1E500] =	vst v63  }
0x5e: {  	_ =	swait.ge [sflag:s26], $0x2000  }
0x5f: {  	[sflag:s26] =	ssyncset.done $0x0  }
0x60: {  	[sflag:s26] =	ssyncadd.s32 $0xFFFFE000  }
0x61: {  	_ =	swait.ge [sflag:s26], $0x2000  }
.Ltmp0:
0x62: {  	[sflag:s26] =	ssyncset.done $0x0;
	(pc) =	sbr.rel @p0 .LBB2_2-.Ltmp0, $4  }
0x63: {  	s0 =	sadd.s32 $0x100, s0;
	[sflag:s26] =	ssyncadd.s32 $0xFFFFE000  }
0x64: {  	s7 =	sadd.s32 $0xFFFFFF80, s0;
	_ =	swait.ge [sflag:s28], $0x80  }
0x65: {  	s8 =	sadd.s32 $0xFFFFFF00, s0;
	s29 =	sshra.s32 s30, $0x2;
	[sflag:s28] =	ssyncset.done $0x0  }
0x66: {  	s30 =	sand.u32 $0x3C00, s8;
	[sflag:s28] =	ssyncadd.s32 $0xFFFFFF80  }
0x67: {  	[spmem:s2] =	stream.indirect.scatter.add.f32 [tilespmem:s20], [sflag:$0x5], $0x80, s22, s25, $0xb8;
	[tilespmem:$0x1E500] =	vst v63  }
0x68: {  	_ =	swait.ge [sflag:s13], $0x4000  }
0x69: {  	s1 =	sadd.s32 $0x80, s29;
	[sflag:s13] =	ssyncset.done $0x0  }
0x6a: {  	s30 =	sadd.s32 s4, s30;
	s7 =	sand.u32 $0x380, s7;
	[sflag:s13] =	ssyncadd.s32 $0xFFFFC000  }
0x6b: {  	[tilespmem:s20], [sflag:$0x2] =	stream.indirect.gather [hbm4b:s5+s16], $0x80, s1, s16, $0xb8;
	[tilespmem:$0x1E500] =	vst v63  }
0x6c: {  	s1 =	sor.u32 s7, s30  }
0x6d: {  	s8 =	sadd.s32 $0xC0, s29;
	s1 =	sshrl.u32 s1, $0x3  }
0x6e: {  	[tilespmem:s21], [sflag:$0x2] =	stream.indirect.gather [hbm4b:s5+s16], $0x80, s8, s16, $0xb8;
	[tilespmem:$0x1E500] =	vst v63  }
0x6f: {  	s1 =	sadd.s32 s6, s1  }
0x70: {  	[tilespmem:s22], [sflag:$0x4] =	stream.linear.gather [hbm4b:s1+s3], $0x80, $0x38;
	[tilespmem:$0x1E500] =	vst v63  }
0x71: {  	_ =	swait.ge [sflag:s23], $0x2000  }
0x72: {  	[sflag:s23] =	ssyncset.done $0x0  }
0x73: {  	[sflag:s23] =	ssyncadd.s32 $0xFFFFE000  }
0x74: {  	_ =	swait.ge [sflag:s23], $0x2000  }
0x75: {  	[sflag:s23] =	ssyncset.done $0x0  }
0x76: {  	[sflag:s23] =	ssyncadd.s32 $0xFFFFE000  }
0x77: {  	_ =	swait.ge [sflag:s24], $0x80  }
0x78: {  	[sflag:s24] =	ssyncset.done $0x0  }
0x79: {  	[sflag:s24] =	ssyncadd.s32 $0xFFFFFF80  }
0x7a: {  	[spmem:s2] =	stream.indirect.scatter.add.f32 [tilespmem:s17], [sflag:$0x5], $0x80, s19, s25, $0xb8;
	[tilespmem:$0x1E500] =	vst v63  }
0x7b: {  	s30 =	sand.u32 $0x7C00, s0;
	_ =	swait.ge [sflag:s13], $0x4000  }
0x7c: {  	s7 =	sand.u32 $0x300, s0;
	s1 =	sadd.s32 s4, s30;
	[sflag:s13] =	ssyncset.done $0x0  }
0x7d: {  	s10 =	sadd.s32 $0x100, s29;
	s0 =	sor.u32 s7, s1;
	[sflag:s13] =	ssyncadd.s32 $0xFFFFC000  }
0x7e: {  	[tilespmem:s17], [sflag:$0x1] =	stream.indirect.gather [hbm4b:s5+s16], $0x80, s10, s16, $0xb8;
	[tilespmem:$0x1E500] =	vst v63  }
0x7f: {  	s8 =	sadd.s32 $0x140, s29;
	s0 =	sshrl.u32 s0, $0x3  }
0x80: {  	[tilespmem:s18], [sflag:$0x1] =	stream.indirect.gather [hbm4b:s5+s16], $0x80, s8, s16, $0xb8;
	[tilespmem:$0x1E500] =	vst v63  }
0x81: {  	s0 =	sadd.s32 s6, s0  }
0x82: {  	[tilespmem:s19], [sflag:$0x3] =	stream.linear.gather [hbm4b:s0+s3], $0x80, $0x38;
	[tilespmem:$0x1E500] =	vst v63  }
0x83: {  	_ =	swait.ge [sflag:s26], $0x2000  }
0x84: {  	[sflag:s26] =	ssyncset.done $0x0  }
0x85: {  	[sflag:s26] =	ssyncadd.s32 $0xFFFFE000  }
0x86: {  	_ =	swait.ge [sflag:s26], $0x2000  }
0x87: {  	[sflag:s26] =	ssyncset.done $0x0  }
0x88: {  	[sflag:s26] =	ssyncadd.s32 $0xFFFFE000  }
0x89: {  	_ =	swait.ge [sflag:s28], $0x80  }
0x8a: {  	[sflag:s28] =	ssyncset.done $0x0  }
0x8b: {  	[sflag:s28] =	ssyncadd.s32 $0xFFFFFF80  }
0x8c: {  	[spmem:s2] =	stream.indirect.scatter.add.f32 [tilespmem:s20], [sflag:$0x5], $0x80, s22, s25, $0xb8;
	[tilespmem:$0x1E500] =	vst v63  }
0x8d: {  	_ =	swait.ge [sflag:s13], $0x4000  }
0x8e: {  	[sflag:s13] =	ssyncset.done $0x0  }
0x8f: {  	s10 =	simm.s32 $0x2780;
	[sflag:s13] =	ssyncadd.s32 $0xFFFFC000  }
0x90: {  	[tilespmem:s20], [sflag:$0x2] =	stream.indirect.gather [hbm4b:s5+s16], $0x80, s10, s16, $0xb8;
	[tilespmem:$0x1E500] =	vst v63  }
0x91: {  	s29 =	simm.s32 $0x27C0  }
0x92: {  	[tilespmem:s21], [sflag:$0x2] =	stream.indirect.gather [hbm4b:s5+s16], $0x80, s29, s16, $0xb8;
	[tilespmem:$0x1E500] =	vst v63  }
0x93: {  	_ = 	snop  }
0x94: {  	[tilespmem:s22], [sflag:$0x4] =	stream.linear.gather [hbm4b:s12+s3], $0x80, $0x38;
	[tilespmem:$0x1E500] =	vst v63  }
0x95: {  	_ =	swait.ge [sflag:s23], $0x2000  }
0x96: {  	[sflag:s23] =	ssyncset.done $0x0  }
0x97: {  	[sflag:s23] =	ssyncadd.s32 $0xFFFFE000  }
0x98: {  	_ =	swait.ge [sflag:s23], $0x2000  }
0x99: {  	[sflag:s23] =	ssyncset.done $0x0  }
0x9a: {  	[sflag:s23] =	ssyncadd.s32 $0xFFFFE000  }
0x9b: {  	_ =	swait.ge [sflag:s24], $0x80  }
0x9c: {  	[sflag:s24] =	ssyncset.done $0x0  }
0x9d: {  	[sflag:s24] =	ssyncadd.s32 $0xFFFFFF80  }
0x9e: {  	[spmem:s2] =	stream.indirect.scatter.add.f32 [tilespmem:s17], [sflag:$0x5], $0x80, s19, s25, $0xb8;
	[tilespmem:$0x1E500] =	vst v63  }
0x9f: {  	_ =	swait.ge [sflag:s13], $0x4000  }
0xa0: {  	[sflag:s13] =	ssyncset.done $0x0  }
0xa1: {  	[sflag:s13] =	ssyncadd.s32 $0xFFFFC000  }
0xa2: {  	_ =	swait.ge [sflag:s26], $0x2000  }
0xa3: {  	[sflag:s26] =	ssyncset.done $0x0  }
0xa4: {  	[sflag:s26] =	ssyncadd.s32 $0xFFFFE000  }
0xa5: {  	_ =	swait.ge [sflag:s26], $0x2000  }
0xa6: {  	[sflag:s26] =	ssyncset.done $0x0  }
0xa7: {  	[sflag:s26] =	ssyncadd.s32 $0xFFFFE000  }
0xa8: {  	_ =	swait.ge [sflag:s28], $0x80  }
0xa9: {  	[sflag:s28] =	ssyncset.done $0x0  }
0xaa: {  	[sflag:s28] =	ssyncadd.s32 $0xFFFFFF80  }
0xab: {  	[spmem:s2] =	stream.indirect.scatter.add.f32 [tilespmem:s20], [sflag:$0x5], $0x80, s22, s25, $0xb8;
	[tilespmem:$0x1E500] =	vst v63  }
0xac: {  	_ =	swait.ge [sflag:s13], $0x4000  }
0xad: {  	[sflag:s13] =	ssyncset.done $0x0  }
0xae: {  	s31 =	sadd.s32 $0x1, s31;
	[sflag:s13] =	ssyncadd.s32 $0xFFFFC000  }
0xaf: {  	p0 =	sne.s32 s31, s11;
	[bflag:$0x0] =	sbarrier.arrive $0xFFFF  }
.Ltmp1:
0xb0: {  	s30 =	rddreg [dreg:$0x5];
	(pc) =	sbr.rel @p0 .LBB2_1-.Ltmp1, $4  }
0xb1: {  	[hbm:s30], [sflag:s14] =	dma.local [spmem:s15], $0x2780  }
0xb2: {  	_ =	swait.ge [sflag:s13], $0x2780  }
0xb3: {  	[sflag:s13] =	ssyncset.done $0x0  }
0xb4: {  	[sflag:s13] =	ssyncadd.s32 $0xFFFFD880  }
0xb5: {  	_ =	sfence.sel $0x180000  }
0xb6: {  	[bflag:$0x0] =	sbarrier.arrive $0xFFFF  }
0xb7: {  	_ =	strace $0x9000004A  }
0xb8: {  	s0 =	stileid.u32;
	[bflag:$0x2] =	sbarrier.arrive $0xFFFF  }
0xb9: {  	p0 =	sne.s32 s0, $0x0;
	s0 =	rddreg [dreg:$0x2]  }
0xba: {  	s0 =	sadd.s32 @!p0 $0x100000, s0  }
0xbb: {  	[sflag:s0] =	ssyncadd.tile.s32 @!p0 $0x1;
	_ =	shalt  }
.Lfunc_end2:
_tile_overlayer_lowered:
.L_overlay_start_2:
0xbc: {  	(tag) =	ssettag $0x2  }
0xbd: {  	s0 =	rddreg [dreg:$0x0];
	s2 =	stileid.u32  }
0xbe: {  	s1 =	rddreg [dreg:$0x1];
	p0 =	sne.s32 s2, $0x0  }
0xbf: {  	s3 =	rddreg [dreg:$0x2];
	[bflag:$0x3] =	sbarrier.arrive $0xFFFF;
	s2 =	simm.s32 @!p0 $0x1C05  }
0xc0: {  	[timem:s3], [sflag:s2] =	dma.local @!p0 [hbm:s0], s1  }
0xc1: {  	s0 =	simm.s32 @!p0 $0x5  }
0xc2: {  	_ =	swait.ge @!p0 [sflag:s0], s1  }
0xc3: {  	s1 =	ssub.s32 @!p0 $0x0, s1;
	[sflag:s0] =	ssyncset.done @!p0 $0x0  }
0xc4: {  	[sflag:s0] =	ssyncadd.s32 @!p0 s1  }
0xc5: {  	[bflag:$0x3] =	sbarrier.arrive $0xFFFF  }
0xc6: {  	_ =	shalt  }

// kernel: kernel.15.cloned.1.call-start
scs
__scs_entry_jumppad:
0x0: {  	(pc) =	sbr.rel $0x88, $3  }
0x1: {  	(tag) =	ssettag $0x0;
	lr =	simm.s32 $0x1  }
0x2: {  	[smem:$0x3F88] =	sst lr;
	_ =	strace $0xD0000000  }
0x3: {  	_ = 	snop  }
0x4: {  	_ = 	snop  }
0x5: {  	_ = 	snop  }
0x6: {  	_ = 	snop  }
0x7: {  	_ = 	snop  }
__scs_overlays_trampoline_lowered:
0x8: {  	[smem:$0x3F97] =	sst s0  }
0x9: {  	[smem:$0x3F98] =	sst s1  }
0xa: {  	[smem:$0x3F99] =	sst s2  }
0xb: {  	[smem:$0x3F9A] =	sst s3  }
0xc: {  	[smem:$0x3F9B] =	sst s4  }
0xd: {  	[smem:$0x3F9C] =	sst s5  }
0xe: {  	[smem:$0x3F9D] =	sst s6  }
0xf: {  	[smem:$0x3F9E] =	sst s7  }
0x10: {  	[smem:$0x3F9F] =	sst s8  }
0x11: {  	[smem:$0x3FA0] =	sst s9;
	s0 =	simm.s32 @!p0 $0x0  }
0x12: {  	s1 =	sld [smem:$0x3F86];
	s0 =	simm.s32 @p0 $0x1  }
0x13: {  	[smem:$0x3FA1] =	sst s0;
	s0 =	simm.s32 @!p1 $0x0  }
0x14: {  	s2 =	sld [smem:$0x3F85];
	s0 =	simm.s32 @p1 $0x1  }
0x15: {  	[smem:$0x3FA2] =	sst s0;
	s0 =	simm.s32 @!p2 $0x0  }
0x16: {  	s3 =	sld [smem:$0x3FDB];
	s0 =	simm.s32 @p2 $0x1  }
0x17: {  	s4 =	simm.s32 $0x1BF5;
	[smem:$0x3FA4] =	sst s0  }
0x18: {  	s0 =	sld [smem:$0x3F87];
	_ =	swait.ge [sflag:s4], $0x0  }
0x19: {  	s7 =	sld [smem:$0x3F88]  }
0x1a: {  	s8 =	sadd.s32 $0xFFFFE003, lr  }
0x1b: {  	s9 =	sadd.s32 $0xFFFFFEF7, lr;
	s5 =	simm.s32 $0xFFFFFFFF;
	p2 =	slt.u32 s8, $0xFFFFF086  }
0x1c: {  	p1 =	slt.u32 s9, $0xF7A;
	s5 =	simm.s32 @!p2 $0x0  }
0x1d: {  	s5 =	simm.s32 @p1 $0x1;
	p0 =	seq.s32 s7, s2  }
0x1e: {  	s7 =	smul.u32 @!p0 $0xF7A, s2;
	p2 =	seq.s32 @!p0 s5, $0x0  }
0x1f: {  	s9 =	smul.u32 $0xF7A, s1;
	s8 =	simm.s32 @!p0 $0x1BF5;
	p2 =	por !p2, p0  }
0x20: {  	[sflag:s8] =	ssyncset.s32 @!p0 $0xFFFFF086;
	s6 =	sadd.s32 @!p0 s3, s7;
	s7 =	simm.s32 @!p0 $0x108  }
0x21: {  	s3 =	sadd.s32 s3, s9;
	s6 =	sadd.s32 @!p0 $0x88, s6;
	s7 =	simm.s32 @p2 $0x1082  }
0x22: {  	[simem:s7], [sflag:s8] =	dma.local @!p0 [hbm:s6], $0xF7A  }
0x23: {  	s9 =	sor.u32 $0xD0000000, s2;
	s6 =	simm.s32 $0x108;
	_ =	swait.ge @!p0 [sflag:s8], $0x0  }
0x24: {  	s3 =	sadd.s32 $0x88, s3;
	s6 =	simm.s32 @!p1 $0x1082;
	[sflag:s4] =	ssyncset.s32 $0xFFFFF086  }
0x25: {  	[simem:s6], [sflag:s4] =	dma.local [hbm:s3], $0xF7A  }
0x26: {  	[smem:$0x3F88] =	sst s1;
	(tag) =	ssettag s2;
	_ =	strace s9  }
0x27: {  	s1 =	sld [smem:$0x3F98]  }
0x28: {  	s2 =	sld [smem:$0x3F99]  }
0x29: {  	s4 =	sld [smem:$0x3F9B]  }
0x2a: {  	p0 =	seq.s32 s5, $0x0;
	s5 =	sld [smem:$0x3F9C]  }
0x2b: {  	s6 =	sld [smem:$0x3F9D]  }
0x2c: {  	s7 =	sld [smem:$0x3F9E]  }
0x2d: {  	s3 =	simm.s32 $0x108;
	s8 =	sld [smem:$0x3F9F]  }
0x2e: {  	s3 =	simm.s32 @!p0 $0x1082;
	s9 =	sld [smem:$0x3FA0]  }
0x2f: {  	lr =	sadd.s32 s0, s3;
	s0 =	sld [smem:$0x3F97]  }
0x30: {  	s3 =	sld [smem:$0x3F9A]  }
0x31: {  	[smem:$0x3FA3] =	sst s10  }
0x32: {  	s10 =	sld [smem:$0x3FA1];
	_ =	sdelay $0x3  }
0x33: {  	p0 =	seq.s32 s10, $0x1;
	s10 =	sld [smem:$0x3FA3];
	_ =	sdelay $0x3  }
0x34: {  	[smem:$0x3FA3] =	sst s10  }
0x35: {  	s10 =	sld [smem:$0x3FA2];
	_ =	sdelay $0x3  }
0x36: {  	p1 =	seq.s32 s10, $0x1;
	s10 =	sld [smem:$0x3FA3];
	_ =	sdelay $0x3  }
0x37: {  	[smem:$0x3FA3] =	sst s10  }
0x38: {  	s10 =	sld [smem:$0x3FA4]  }
0x39: {  	_ = 	snop;
	(pc) =	sbr.ind lr, $3  }
0x3a: {  	_ = 	snop  }
0x3b: {  	_ = 	snop  }
0x3c: {  	p2 =	seq.s32 s10, $0x1;
	s10 =	sld [smem:$0x3FA3]  }
0x3d: {  	_ =	shalt  }
0x3e: {  	_ =	shalt  }
0x3f: {  	_ =	shalt  }
0x40: {  	_ =	shalt  }
0x41: {  	_ =	shalt  }
0x42: {  	_ =	shalt  }
0x43: {  	_ =	shalt  }
0x44: {  	_ =	shalt  }
0x45: {  	_ =	shalt  }
0x46: {  	_ =	shalt  }
0x47: {  	_ =	shalt  }
0x48: {  	_ =	shalt  }
0x49: {  	_ =	shalt  }
0x4a: {  	_ =	shalt  }
0x4b: {  	_ =	shalt  }
0x4c: {  	_ =	shalt  }
0x4d: {  	_ =	shalt  }
0x4e: {  	_ =	shalt  }
0x4f: {  	_ =	shalt  }
0x50: {  	_ =	shalt  }
0x51: {  	_ =	shalt  }
0x52: {  	_ =	shalt  }
0x53: {  	_ =	shalt  }
0x54: {  	_ =	shalt  }
0x55: {  	_ =	shalt  }
0x56: {  	_ =	shalt  }
0x57: {  	_ =	shalt  }
0x58: {  	_ =	shalt  }
0x59: {  	_ =	shalt  }
0x5a: {  	_ =	shalt  }
0x5b: {  	_ =	shalt  }
0x5c: {  	_ =	shalt  }
0x5d: {  	_ =	shalt  }
0x5e: {  	_ =	shalt  }
0x5f: {  	_ =	shalt  }
0x60: {  	_ =	shalt  }
0x61: {  	_ =	shalt  }
0x62: {  	_ =	shalt  }
0x63: {  	_ =	shalt  }
0x64: {  	_ =	shalt  }
0x65: {  	_ =	shalt  }
0x66: {  	_ =	shalt  }
0x67: {  	_ =	shalt  }
0x68: {  	_ =	shalt  }
0x69: {  	_ =	shalt  }
0x6a: {  	_ =	shalt  }
0x6b: {  	_ =	shalt  }
0x6c: {  	_ =	shalt  }
0x6d: {  	_ =	shalt  }
0x6e: {  	_ =	shalt  }
0x6f: {  	_ =	shalt  }
0x70: {  	_ =	shalt  }
0x71: {  	_ =	shalt  }
0x72: {  	_ =	shalt  }
0x73: {  	_ =	shalt  }
0x74: {  	_ =	shalt  }
0x75: {  	_ =	shalt  }
0x76: {  	_ =	shalt  }
0x77: {  	_ =	shalt  }
0x78: {  	_ =	shalt  }
0x79: {  	_ =	shalt  }
0x7a: {  	_ =	shalt  }
0x7b: {  	_ =	shalt  }
0x7c: {  	_ =	shalt  }
0x7d: {  	_ =	shalt  }
0x7e: {  	_ =	shalt  }
0x7f: {  	_ =	shalt  }
0x80: {  	_ =	shalt  }
0x81: {  	_ =	shalt  }
0x82: {  	_ =	shalt  }
0x83: {  	_ =	shalt  }
0x84: {  	_ =	shalt  }
0x85: {  	_ =	shalt  }
0x86: {  	_ =	shalt  }
0x87: {  	_ =	shalt  }
.Lfunc_end0:
.L_simem_size_0:
called_computation.2_lowered:
.L_overlay_start_0:
0x88: {  	s2 =	sld [smem:$0x3FD9]  }
0x89: {  	s3 =	sld [smem:$0x3FFE];
	_ =	sdelay $0x1  }
0x8a: {  	s1 =	srdreg.scid  }
0x8b: {  	s0 =	sand.u32 $0x1, s1  }
0x8c: {  	s16 =	sshll.u32 s0, $0xA;
	s2 =	sadd.s32 s3, s2  }
0x8d: {  	s2 =	sadd.s32 s2, s16  }
0x8e: {  	[smem:$0x3FAF] =	sst s2  }
0x8f: {  	_ = 	snop  }
0x90: {  	(tm) =	ssettm $0x1  }
0x91: {  	s17 =	sld [smem:$0x3FFB];
	_ =	sdelay $0x3  }
0x92: {  	_ =	strace s17  }
0x93: {  	s2 =	sld [smem:$0x3FFC];
	_ =	sdelay $0x3  }
0x94: {  	_ =	strace s2  }
0x95: {  	s2 =	sld [smem:$0x3FFD];
	_ =	sdelay $0x3  }
0x96: {  	_ =	strace s2  }
0x97: {  	_ =	strace $0x8FFFFFFF  }
0x98: {  	s18 =	sld [smem:$0x3FDB];
	_ =	sdelay $0x1  }
0x99: {  	s19 =	simm.s32 $_scs_section_size  }
0x9a: {  	s4 =	simm.s32 $_size__tile_overlayer_lowered;
	s5 =	simm.s32 $_tile_overlayer_lowered  }
0x9b: {  	s22 =	simm.s32 $0x1BFF;
	s21 =	sshll.u32 s5, $0x1;
	s2 =	sadd.s32 s19, s18  }
0x9c: {  	s6 =	simm.s32 $0x0;
	s20 =	sshll.u32 s4, $0x1;
	s4 =	sadd.s32 s21, s2  }
0x9d: {  	[timem:s6], [sflag:s22] =	dma.local [hbm:s4], s20  }
0x9e: {  	_ =	swait.ge [sflag:s22], s20  }
0x9f: {  	s3 =	ssub.s32 $0x0, s20;
	[sflag:s22] =	ssyncset.done $0x0  }
0xa0: {  	[sflag:s22] =	ssyncadd.s32 s3;
	_ =	sdelay $0x1  }
0xa1: {  	s23 =	simm.s32 $0x1B8B  }
0xa2: {  	_ =	swait.ge [sflag:s23], $0x1  }
0xa3: {  	[sflag:s23] =	ssyncset.done $0x0  }
0xa4: {  	s25 =	simm.s32 $0x1B8E;
	s24 =	sld [smem:$0x3FFE];
	[sflag:s23] =	ssyncadd.s32 $0xFFFFFFFF  }
0xa5: {  	s26 =	simm.s32 $execute0_lowered;
	[smem:$0x3FD2] =	sst s25  }
0xa6: {  	s4 =	sshll.u32 s26, $0x1;
	_ =	strace $0x8000004C;
	[dreg:$0x1] =	wrdreg $0xFFFFFFFF  }
0xa7: {  	s28 =	simm.s32 $_size_execute0_lowered;
	s2 =	sadd.s32 s2, s4;
	[dreg:$0x0] =	wrdreg $0x0  }
0xa8: {  	s4 =	sshll.u32 s28, $0x1;
	[dreg:$0x2] =	wrdreg s2  }
0xa9: {  	[dreg:$0x3] =	wrdreg s4  }
0xaa: {  	[dreg:$0x4] =	wrdreg $0xC0  }
0xab: {  	_ =	task [dreg:s6], $0x5FFFF  }
0xac: {  	[dreg:$0x1] =	wrdreg $0xFFFFFFFF  }
0xad: {  	[dreg:$0x0] =	wrdreg $0x60  }
0xae: {  	[dreg:$0x2] =	wrdreg s24  }
0xaf: {  	[dreg:$0x3] =	wrdreg $0xA9000  }
0xb0: {  	[dreg:$0x4] =	wrdreg $0x9  }
0xb1: {  	_ =	task.clear_ibuf [dreg:s6], $0x5FFFF;
	_ =	strace $0x9000004C  }
0xb2: {  	s29 =	simm.s32 $0x9;
	_ =	strace $0x8000004E  }
0xb3: {  	_ =	swait.ge [sflag:s29], $0x1  }
0xb4: {  	[sflag:s29] =	ssyncadd.s32 $0xFFFFFFFF  }
0xb5: {  	_ =	strace $0x9000004E  }
0xb6: {  	_ =	sfence  }
0xb7: {  	s30 =	sld [smem:$0x0];
	_ =	sdelay $0x2  }
0xb8: {  	s31 =	sshll.u32 s1, $0xD;
	s1 =	sshrl.u32 s1, $0x2  }
0xb9: {  	s3 =	sand.u32 $0x4000, s31;
	s1 =	sadd.s32 s1, s30  }
0xba: {  	s0 =	sor.u32 s3, s0;
	s1 =	sshll.u32 s1, $0x11  }
0xbb: {  	s0 =	sor.u32 s1, s0  }
0xbc: {  	s0 =	sadd.s32 $0x8F2B, s0  }
0xbd: {  	[sflag:s0] =	ssyncadd.remote.s32 $0x1  }
0xbe: {  	_ =	sfence.sel $0xFFFF  }
0xbf: {  	[dreg:$0x0] =	wrdreg $0xFFFFFFFF;
	(pc) =	sbr.abs _section_cstart, $3  }
0xc0: {  	[dreg:$0x1] =	wrdreg $0xFFFFFFFF  }
0xc1: {  	_ =	task.clear_ibuf [dreg:s6], $0x2FFFF;
	_ =	strace $0x9FFFFFFF  }
0xc2: {  	(tm) =	ssettm $0x7FFFFFFF  }
0xc3: {  	_ =	shalt  }
tec
execute0_lowered:
.L_overlay_start_1:
0x0: {  	(tag) =	ssettag $0x1  }
0x1: {  	s0 =	srdreg.scid;
	s1 =	rddreg [dreg:$0x0]  }
0x2: {  	s2 =	rddreg [dreg:$0x1];
	s13 =	stileid.u32  }
0x3: {  	s3 =	simm.s32 $0x0;
	s16 =	simm.s32 $0x40;
	s17 =	simm.s32 $0x2900  }
0x4: {  	s18 =	simm.s32 $0x4900;
	s19 =	simm.s32 $0x2800;
	s20 =	simm.s32 $0x6900  }
0x5: {  	s21 =	simm.s32 $0x8900;
	s22 =	simm.s32 $0x2880;
	s28 =	simm.s32 $0x4  }
0x6: {  	s31 =	simm.s32 $0x0;
	s0 =	sand.u32 $0x1, s0;
	[smem:$0x7FF] =	sst s3  }
0x7: {  	s7 =	smul.u32 $0x2780, s13;
	s5 =	sadd.s32 $0x40000, s1;
	s6 =	sadd.s32 $0xE800, s1  }
0x8: {  	s11 =	smul.u32 $0x4F000, s13;
	s30 =	sshll.u32 s13, $0x6;
	s4 =	sshll.u32 s0, $0x4  }
0x9: {  	_ =	strace $0x8000004D;
	s8 =	smul.u32 $0x27800, s0;
	s0 =	ssub.s32 $0x2, s0  }
0xa: {  	s14 =	sor.u32 $0x1C05, s30;
	s4 =	sor.u32 s13, s4;
	s12 =	sadd.s32 s7, s1  }
0xb: {  	s23 =	sshrl.u32 s0, $0x1;
	s24 =	sshrl.u32 s11, $0x2;
	s13 =	simm.s32 $0x5  }
0xc: {  	s4 =	smul.u32 $0x2800, s4;
	s7 =	sadd.s32 s7, s8;
	s0 =	ssub.s32 s0, s23  }
0xd: {  	s26 =	sadd.s32 s24, s2;
	s29 =	sadd.s32 $0x18800, s12;
	s23 =	simm.s32 $0x1  }
0xe: {  	s24 =	simm.s32 $0x3;
	[dreg:$0x4] =	wrdreg s29;
	s9 =	sshrl.u32 s4, $0x3  }
0xf: {  	s11 =	smax.u32 s0, $0x1;
	s15 =	sshrl.u32 s26, $0x3;
	s10 =	sadd.s32 s9, s1  }
0x10: {  	s26 =	simm.s32 $0x2;
	s1 =	sadd.s32 s7, s1;
	s25 =	sadd.s32 $0x4800, s10  }
0x11: {  	s9 =	sadd.s32 s6, s9;
	s1 =	sadd.s32 $0x67200, s1;
	[dreg:$0x3] =	wrdreg s25  }
0x12: {  	s12 =	sadd.s32 $0x4F0, s9;
	[dreg:$0x5] =	wrdreg s1;
	s25 =	simm.s32 $0x80  }
.LBB2_1:
0x13: {  	s0 =	rddreg [dreg:$0x3]  }
0x14: {  	[tilespmem:s3], [sflag:$0x5] =	stream.linear.gather [hbm4b:s0+s3], $0x2800, $0x38;
	[tilespmem:$0x1E500] =	vst v63  }
0x15: {  	_ =	swait.ge [sflag:s13], $0x2800  }
0x16: {  	[sflag:s13] =	ssyncset.done $0x0  }
0x17: {  	s1 =	rddreg [dreg:$0x4];
	[sflag:s13] =	ssyncadd.s32 $0xFFFFD800  }
0x18: {  	[spmem:s15], [sflag:s14] =	dma.local [hbm:s1], $0x2780  }
0x19: {  	_ =	swait.ge [sflag:s13], $0x2780  }
0x1a: {  	[sflag:s13] =	ssyncset.done $0x0  }
0x1b: {  	[sflag:s13] =	ssyncadd.s32 $0xFFFFD880  }
0x1c: {  	s7 =	simm.s32 $0x0;
	[bflag:$0x0] =	sbarrier.arrive $0xFFFF  }
0x1d: {  	[tilespmem:s17], [sflag:$0x1] =	stream.indirect.gather [hbm4b:s5+s16], $0x80, s3, s16, $0xb8;
	[tilespmem:$0x1E500] =	vst v63  }
0x1e: {  	s0 =	sand.u32 $0x3C00, s7;
	s1 =	simm.s32 $0x80  }
0x1f: {  	[tilespmem:s18], [sflag:$0x1] =	stream.indirect.gather [hbm4b:s5+s16], $0x80, s16, s16, $0xb8;
	[tilespmem:$0x1E500] =	vst v63  }
0x20: {  	s0 =	sadd.s32 s4, s0;
	s1 =	sand.u32 $0x380, s1  }
0x21: {  	[tilespmem:s19], [sflag:$0x3] =	stream.linear.gather [hbm4b:s9+s3], $0x80, $0x38;
	[tilespmem:$0x1E500] =	vst v63  }
0x22: {  	s8 =	simm.s32 $0x80;
	s0 =	sor.u32 s1, s0  }
0x23: {  	[tilespmem:s20], [sflag:$0x2] =	stream.indirect.gather [hbm4b:s5+s16], $0x80, s8, s16, $0xb8;
	[tilespmem:$0x1E500] =	vst v63  }
0x24: {  	s10 =	simm.s32 $0xC0;
	s0 =	sshrl.u32 s0, $0x3  }
0x25: {  	[tilespmem:s21], [sflag:$0x2] =	stream.indirect.gather [hbm4b:s5+s16], $0x80, s10, s16, $0xb8;
	[tilespmem:$0x1E500] =	vst v63  }
0x26: {  	s0 =	sadd.s32 s6, s0  }
0x27: {  	[tilespmem:s22], [sflag:$0x4] =	stream.linear.gather [hbm4b:s0+s3], $0x80, $0x38;
	[tilespmem:$0x1E500] =	vst v63  }
0x28: {  	_ =	swait.ge [sflag:s23], $0x2000  }
0x29: {  	[sflag:s23] =	ssyncset.done $0x0  }
0x2a: {  	[sflag:s23] =	ssyncadd.s32 $0xFFFFE000  }
0x2b: {  	_ =	swait.ge [sflag:s23], $0x2000  }
0x2c: {  	[sflag:s23] =	ssyncset.done $0x0  }
0x2d: {  	[sflag:s23] =	ssyncadd.s32 $0xFFFFE000  }
0x2e: {  	_ =	swait.ge [sflag:s24], $0x80  }
0x2f: {  	[sflag:s24] =	ssyncset.done $0x0  }
0x30: {  	s7 =	simm.s32 $0x100;
	[sflag:s24] =	ssyncadd.s32 $0xFFFFFF80  }
0x31: {  	[spmem:s2] =	stream.indirect.scatter.add.f32 [tilespmem:s17], [sflag:$0x5], $0x80, s19, s25, $0xb8;
	[tilespmem:$0x1E500] =	vst v63  }
0x32: {  	s8 =	sand.u32 $0x7C00, s7;
	_ =	swait.ge [sflag:s13], $0x4000  }
0x33: {  	s1 =	sadd.s32 s4, s8;
	s0 =	sand.u32 $0x300, s7;
	[sflag:s13] =	ssyncset.done $0x0  }
0x34: {  	s7 =	simm.s32 $0x100;
	s0 =	sor.u32 s0, s1;
	[sflag:s13] =	ssyncadd.s32 $0xFFFFC000  }
0x35: {  	[tilespmem:s17], [sflag:$0x1] =	stream.indirect.gather [hbm4b:s5+s16], $0x80, s7, s16, $0xb8;
	[tilespmem:$0x1E500] =	vst v63  }
0x36: {  	s10 =	simm.s32 $0x140;
	s0 =	sshrl.u32 s0, $0x3  }
0x37: {  	[tilespmem:s18], [sflag:$0x1] =	stream.indirect.gather [hbm4b:s5+s16], $0x80, s10, s16, $0xb8;
	[tilespmem:$0x1E500] =	vst v63  }
0x38: {  	s0 =	sadd.s32 s6, s0  }
0x39: {  	[tilespmem:s19], [sflag:$0x3] =	stream.linear.gather [hbm4b:s0+s3], $0x80, $0x38;
	[tilespmem:$0x1E500] =	vst v63  }
0x3a: {  	_ =	swait.ge [sflag:s26], $0x2000  }
0x3b: {  	[sflag:s26] =	ssyncset.done $0x0  }
0x3c: {  	[sflag:s26] =	ssyncadd.s32 $0xFFFFE000  }
0x3d: {  	_ =	swait.ge [sflag:s26], $0x2000  }
0x3e: {  	[sflag:s26] =	ssyncset.done $0x0  }
0x3f: {  	[sflag:s26] =	ssyncadd.s32 $0xFFFFE000  }
0x40: {  	s30 =	simm.s32 $0x100;
	s29 =	simm.s32 $0x100;
	_ =	swait.ge [sflag:s28], $0x80  }
0x41: {  	s30 =	sand.u32 $0x3C00, s30;
	s1 =	simm.s32 $0x800;
	[sflag:s28] =	ssyncset.done $0x0  }
0x42: {  	s7 =	simm.s32 $0x180;
	s0 =	simm.s32 $0x200;
	[sflag:s28] =	ssyncadd.s32 $0xFFFFFF80  }
.LBB2_2:
0x43: {  	[spmem:s2] =	stream.indirect.scatter.add.f32 [tilespmem:s20], [sflag:$0x5], $0x80, s22, s25, $0xb8;
	[tilespmem:$0x1E500] =	vst v63  }
0x44: {  	s30 =	sadd.s32 s4, s30;
	s7 =	sand.u32 $0x380, s7;
	_ =	swait.ge [sflag:s13], $0x4000  }
0x45: {  	s8 =	sadd.s32 $0xC0, s29;
	s7 =	sor.u32 s7, s30;
	[sflag:s13] =	ssyncset.done $0x0  }
0x46: {  	s30 =	sadd.s32 $0x80, s29;
	s7 =	sshrl.u32 s7, $0x3;
	[sflag:s13] =	ssyncadd.s32 $0xFFFFC000  }
0x47: {  	[tilespmem:s20], [sflag:$0x2] =	stream.indirect.gather [hbm4b:s5+s16], $0x80, s30, s16, $0xb8;
	[tilespmem:$0x1E500] =	vst v63  }
0x48: {  	p0 =	sne.s32 s1, $0x9800;
	s30 =	smov.u32 s1;
	s1 =	sadd.s32 $0x400, s1  }
0x49: {  	[tilespmem:s21], [sflag:$0x2] =	stream.indirect.gather [hbm4b:s5+s16], $0x80, s8, s16, $0xb8;
	[tilespmem:$0x1E500] =	vst v63  }
0x4a: {  	s7 =	sadd.s32 s6, s7  }
0x4b: {  	[tilespmem:s22], [sflag:$0x4] =	stream.linear.gather [hbm4b:s7+s3], $0x80, $0x38;
	[tilespmem:$0x1E500] =	vst v63  }
0x4c: {  	_ =	swait.ge [sflag:s23], $0x2000  }
0x4d: {  	[sflag:s23] =	ssyncset.done $0x0  }
0x4e: {  	[sflag:s23] =	ssyncadd.s32 $0xFFFFE000  }
0x4f: {  	_ =	swait.ge [sflag:s23], $0x2000  }
0x50: {  	[sflag:s23] =	ssyncset.done $0x0  }
0x51: {  	[sflag:s23] =	ssyncadd.s32 $0xFFFFE000  }
0x52: {  	_ =	swait.ge [sflag:s24], $0x80  }
0x53: {  	[sflag:s24] =	ssyncset.done $0x0  }
0x54: {  	s7 =	sand.u32 $0x300, s0;
	[sflag:s24] =	ssyncadd.s32 $0xFFFFFF80  }
0x55: {  	[spmem:s2] =	stream.indirect.scatter.add.f32 [tilespmem:s17], [sflag:$0x5], $0x80, s19, s25, $0xb8;
	[tilespmem:$0x1E500] =	vst v63  }
0x56: {  	s10 =	sand.u32 $0x7C00, s0;
	s8 =	sadd.s32 $0x100, s29;
	_ =	swait.ge [sflag:s13], $0x4000  }
0x57: {  	s10 =	sadd.s32 s4, s10;
	s29 =	sadd.s32 $0x140, s29;
	[sflag:s13] =	ssyncset.done $0x0  }
0x58: {  	s7 =	sor.u32 s7, s10;
	[sflag:s13] =	ssyncadd.s32 $0xFFFFC000  }
0x59: {  	[tilespmem:s17], [sflag:$0x1] =	stream.indirect.gather [hbm4b:s5+s16], $0x80, s8, s16, $0xb8;
	[tilespmem:$0x1E500] =	vst v63  }
0x5a: {  	s7 =	sshrl.u32 s7, $0x3  }
0x5b: {  	[tilespmem:s18], [sflag:$0x1] =	stream.indirect.gather [hbm4b:s5+s16], $0x80, s29, s16, $0xb8;
	[tilespmem:$0x1E500] =	vst v63  }
0x5c: {  	s7 =	sadd.s32 s6, s7  }
0x5d: {  	[tilespmem:s19], [sflag:$0x3] =	stream.linear.gather [hbm4b:s7+s3], $0x80, $0x38;
	[tilespmem:$0x1E500] =	vst v63  }
0x5e: {  	_ =	swait.ge [sflag:s26], $0x2000  }
0x5f: {  	[sflag:s26] =	ssyncset.done $0x0  }
0x60: {  	[sflag:s26] =	ssyncadd.s32 $0xFFFFE000  }
0x61: {  	_ =	swait.ge [sflag:s26], $0x2000  }
.Ltmp0:
0x62: {  	[sflag:s26] =	ssyncset.done $0x0;
	(pc) =	sbr.rel @p0 .LBB2_2-.Ltmp0, $4  }
0x63: {  	s0 =	sadd.s32 $0x100, s0;
	[sflag:s26] =	ssyncadd.s32 $0xFFFFE000  }
0x64: {  	s7 =	sadd.s32 $0xFFFFFF80, s0;
	_ =	swait.ge [sflag:s28], $0x80  }
0x65: {  	s8 =	sadd.s32 $0xFFFFFF00, s0;
	s29 =	sshra.s32 s30, $0x2;
	[sflag:s28] =	ssyncset.done $0x0  }
0x66: {  	s30 =	sand.u32 $0x3C00, s8;
	[sflag:s28] =	ssyncadd.s32 $0xFFFFFF80  }
0x67: {  	[spmem:s2] =	stream.indirect.scatter.add.f32 [tilespmem:s20], [sflag:$0x5], $0x80, s22, s25, $0xb8;
	[tilespmem:$0x1E500] =	vst v63  }
0x68: {  	_ =	swait.ge [sflag:s13], $0x4000  }
0x69: {  	s1 =	sadd.s32 $0x80, s29;
	[sflag:s13] =	ssyncset.done $0x0  }
0x6a: {  	s30 =	sadd.s32 s4, s30;
	s7 =	sand.u32 $0x380, s7;
	[sflag:s13] =	ssyncadd.s32 $0xFFFFC000  }
0x6b: {  	[tilespmem:s20], [sflag:$0x2] =	stream.indirect.gather [hbm4b:s5+s16], $0x80, s1, s16, $0xb8;
	[tilespmem:$0x1E500] =	vst v63  }
0x6c: {  	s1 =	sor.u32 s7, s30  }
0x6d: {  	s8 =	sadd.s32 $0xC0, s29;
	s1 =	sshrl.u32 s1, $0x3  }
0x6e: {  	[tilespmem:s21], [sflag:$0x2] =	stream.indirect.gather [hbm4b:s5+s16], $0x80, s8, s16, $0xb8;
	[tilespmem:$0x1E500] =	vst v63  }
0x6f: {  	s1 =	sadd.s32 s6, s1  }
0x70: {  	[tilespmem:s22], [sflag:$0x4] =	stream.linear.gather [hbm4b:s1+s3], $0x80, $0x38;
	[tilespmem:$0x1E500] =	vst v63  }
0x71: {  	_ =	swait.ge [sflag:s23], $0x2000  }
0x72: {  	[sflag:s23] =	ssyncset.done $0x0  }
0x73: {  	[sflag:s23] =	ssyncadd.s32 $0xFFFFE000  }
0x74: {  	_ =	swait.ge [sflag:s23], $0x2000  }
0x75: {  	[sflag:s23] =	ssyncset.done $0x0  }
0x76: {  	[sflag:s23] =	ssyncadd.s32 $0xFFFFE000  }
0x77: {  	_ =	swait.ge [sflag:s24], $0x80  }
0x78: {  	[sflag:s24] =	ssyncset.done $0x0  }
0x79: {  	[sflag:s24] =	ssyncadd.s32 $0xFFFFFF80  }
0x7a: {  	[spmem:s2] =	stream.indirect.scatter.add.f32 [tilespmem:s17], [sflag:$0x5], $0x80, s19, s25, $0xb8;
	[tilespmem:$0x1E500] =	vst v63  }
0x7b: {  	s30 =	sand.u32 $0x7C00, s0;
	_ =	swait.ge [sflag:s13], $0x4000  }
0x7c: {  	s7 =	sand.u32 $0x300, s0;
	s1 =	sadd.s32 s4, s30;
	[sflag:s13] =	ssyncset.done $0x0  }
0x7d: {  	s10 =	sadd.s32 $0x100, s29;
	s0 =	sor.u32 s7, s1;
	[sflag:s13] =	ssyncadd.s32 $0xFFFFC000  }
0x7e: {  	[tilespmem:s17], [sflag:$0x1] =	stream.indirect.gather [hbm4b:s5+s16], $0x80, s10, s16, $0xb8;
	[tilespmem:$0x1E500] =	vst v63  }
0x7f: {  	s8 =	sadd.s32 $0x140, s29;
	s0 =	sshrl.u32 s0, $0x3  }
0x80: {  	[tilespmem:s18], [sflag:$0x1] =	stream.indirect.gather [hbm4b:s5+s16], $0x80, s8, s16, $0xb8;
	[tilespmem:$0x1E500] =	vst v63  }
0x81: {  	s0 =	sadd.s32 s6, s0  }
0x82: {  	[tilespmem:s19], [sflag:$0x3] =	stream.linear.gather [hbm4b:s0+s3], $0x80, $0x38;
	[tilespmem:$0x1E500] =	vst v63  }
0x83: {  	_ =	swait.ge [sflag:s26], $0x2000  }
0x84: {  	[sflag:s26] =	ssyncset.done $0x0  }
0x85: {  	[sflag:s26] =	ssyncadd.s32 $0xFFFFE000  }
0x86: {  	_ =	swait.ge [sflag:s26], $0x2000  }
0x87: {  	[sflag:s26] =	ssyncset.done $0x0  }
0x88: {  	[sflag:s26] =	ssyncadd.s32 $0xFFFFE000  }
0x89: {  	_ =	swait.ge [sflag:s28], $0x80  }
0x8a: {  	[sflag:s28] =	ssyncset.done $0x0  }
0x8b: {  	[sflag:s28] =	ssyncadd.s32 $0xFFFFFF80  }
0x8c: {  	[spmem:s2] =	stream.indirect.scatter.add.f32 [tilespmem:s20], [sflag:$0x5], $0x80, s22, s25, $0xb8;
	[tilespmem:$0x1E500] =	vst v63  }
0x8d: {  	_ =	swait.ge [sflag:s13], $0x4000  }
0x8e: {  	[sflag:s13] =	ssyncset.done $0x0  }
0x8f: {  	s10 =	simm.s32 $0x2780;
	[sflag:s13] =	ssyncadd.s32 $0xFFFFC000  }
0x90: {  	[tilespmem:s20], [sflag:$0x2] =	stream.indirect.gather [hbm4b:s5+s16], $0x80, s10, s16, $0xb8;
	[tilespmem:$0x1E500] =	vst v63  }
0x91: {  	s29 =	simm.s32 $0x27C0  }
0x92: {  	[tilespmem:s21], [sflag:$0x2] =	stream.indirect.gather [hbm4b:s5+s16], $0x80, s29, s16, $0xb8;
	[tilespmem:$0x1E500] =	vst v63  }
0x93: {  	_ = 	snop  }
0x94: {  	[tilespmem:s22], [sflag:$0x4] =	stream.linear.gather [hbm4b:s12+s3], $0x80, $0x38;
	[tilespmem:$0x1E500] =	vst v63  }
0x95: {  	_ =	swait.ge [sflag:s23], $0x2000  }
0x96: {  	[sflag:s23] =	ssyncset.done $0x0  }
0x97: {  	[sflag:s23] =	ssyncadd.s32 $0xFFFFE000  }
0x98: {  	_ =	swait.ge [sflag:s23], $0x2000  }
0x99: {  	[sflag:s23] =	ssyncset.done $0x0  }
0x9a: {  	[sflag:s23] =	ssyncadd.s32 $0xFFFFE000  }
0x9b: {  	_ =	swait.ge [sflag:s24], $0x80  }
0x9c: {  	[sflag:s24] =	ssyncset.done $0x0  }
0x9d: {  	[sflag:s24] =	ssyncadd.s32 $0xFFFFFF80  }
0x9e: {  	[spmem:s2] =	stream.indirect.scatter.add.f32 [tilespmem:s17], [sflag:$0x5], $0x80, s19, s25, $0xb8;
	[tilespmem:$0x1E500] =	vst v63  }
0x9f: {  	_ =	swait.ge [sflag:s13], $0x4000  }
0xa0: {  	[sflag:s13] =	ssyncset.done $0x0  }
0xa1: {  	[sflag:s13] =	ssyncadd.s32 $0xFFFFC000  }
0xa2: {  	_ =	swait.ge [sflag:s26], $0x2000  }
0xa3: {  	[sflag:s26] =	ssyncset.done $0x0  }
0xa4: {  	[sflag:s26] =	ssyncadd.s32 $0xFFFFE000  }
0xa5: {  	_ =	swait.ge [sflag:s26], $0x2000  }
0xa6: {  	[sflag:s26] =	ssyncset.done $0x0  }
0xa7: {  	[sflag:s26] =	ssyncadd.s32 $0xFFFFE000  }
0xa8: {  	_ =	swait.ge [sflag:s28], $0x80  }
0xa9: {  	[sflag:s28] =	ssyncset.done $0x0  }
0xaa: {  	[sflag:s28] =	ssyncadd.s32 $0xFFFFFF80  }
0xab: {  	[spmem:s2] =	stream.indirect.scatter.add.f32 [tilespmem:s20], [sflag:$0x5], $0x80, s22, s25, $0xb8;
	[tilespmem:$0x1E500] =	vst v63  }
0xac: {  	_ =	swait.ge [sflag:s13], $0x4000  }
0xad: {  	[sflag:s13] =	ssyncset.done $0x0  }
0xae: {  	s31 =	sadd.s32 $0x1, s31;
	[sflag:s13] =	ssyncadd.s32 $0xFFFFC000  }
0xaf: {  	p0 =	sne.s32 s31, s11;
	[bflag:$0x0] =	sbarrier.arrive $0xFFFF  }
.Ltmp1:
0xb0: {  	s30 =	rddreg [dreg:$0x5];
	(pc) =	sbr.rel @p0 .LBB2_1-.Ltmp1, $4  }
0xb1: {  	[hbm:s30], [sflag:s14] =	dma.local [spmem:s15], $0x2780  }
0xb2: {  	_ =	swait.ge [sflag:s13], $0x2780  }
0xb3: {  	[sflag:s13] =	ssyncset.done $0x0  }
0xb4: {  	[sflag:s13] =	ssyncadd.s32 $0xFFFFD880  }
0xb5: {  	_ =	sfence.sel $0x180000  }
0xb6: {  	[bflag:$0x0] =	sbarrier.arrive $0xFFFF  }
0xb7: {  	_ =	strace $0x9000004D  }
0xb8: {  	s0 =	stileid.u32;
	[bflag:$0x2] =	sbarrier.arrive $0xFFFF  }
0xb9: {  	p0 =	sne.s32 s0, $0x0;
	s0 =	rddreg [dreg:$0x2]  }
0xba: {  	s0 =	sadd.s32 @!p0 $0x100000, s0  }
0xbb: {  	[sflag:s0] =	ssyncadd.tile.s32 @!p0 $0x1;
	_ =	shalt  }
.Lfunc_end2:
_tile_overlayer_lowered:
.L_overlay_start_2:
0xbc: {  	(tag) =	ssettag $0x2  }
0xbd: {  	s0 =	rddreg [dreg:$0x0];
	s2 =	stileid.u32  }
0xbe: {  	s1 =	rddreg [dreg:$0x1];
	p0 =	sne.s32 s2, $0x0  }
0xbf: {  	s3 =	rddreg [dreg:$0x2];
	[bflag:$0x3] =	sbarrier.arrive $0xFFFF;
	s2 =	simm.s32 @!p0 $0x1C05  }
0xc0: {  	[timem:s3], [sflag:s2] =	dma.local @!p0 [hbm:s0], s1  }
0xc1: {  	s0 =	simm.s32 @!p0 $0x5  }
0xc2: {  	_ =	swait.ge @!p0 [sflag:s0], s1  }
0xc3: {  	s1 =	ssub.s32 @!p0 $0x0, s1;
	[sflag:s0] =	ssyncset.done @!p0 $0x0  }
0xc4: {  	[sflag:s0] =	ssyncadd.s32 @!p0 s1  }
0xc5: {  	[bflag:$0x3] =	sbarrier.arrive $0xFFFF  }
0xc6: {  	_ =	shalt  }

// kernel: kernel.9.cloned.1.call-start
scs
__scs_entry_jumppad:
0x0: {  	(pc) =	sbr.rel $0x88, $3  }
0x1: {  	(tag) =	ssettag $0x0;
	lr =	simm.s32 $0x1  }
0x2: {  	[smem:$0x3F88] =	sst lr;
	_ =	strace $0xD0000000  }
0x3: {  	_ = 	snop  }
0x4: {  	_ = 	snop  }
0x5: {  	_ = 	snop  }
0x6: {  	_ = 	snop  }
0x7: {  	_ = 	snop  }
__scs_overlays_trampoline_lowered:
0x8: {  	[smem:$0x3F97] =	sst s0  }
0x9: {  	[smem:$0x3F98] =	sst s1  }
0xa: {  	[smem:$0x3F99] =	sst s2  }
0xb: {  	[smem:$0x3F9A] =	sst s3  }
0xc: {  	[smem:$0x3F9B] =	sst s4  }
0xd: {  	[smem:$0x3F9C] =	sst s5  }
0xe: {  	[smem:$0x3F9D] =	sst s6  }
0xf: {  	[smem:$0x3F9E] =	sst s7  }
0x10: {  	[smem:$0x3F9F] =	sst s8  }
0x11: {  	[smem:$0x3FA0] =	sst s9;
	s0 =	simm.s32 @!p0 $0x0  }
0x12: {  	s1 =	sld [smem:$0x3F86];
	s0 =	simm.s32 @p0 $0x1  }
0x13: {  	[smem:$0x3FA1] =	sst s0;
	s0 =	simm.s32 @!p1 $0x0  }
0x14: {  	s2 =	sld [smem:$0x3F85];
	s0 =	simm.s32 @p1 $0x1  }
0x15: {  	[smem:$0x3FA2] =	sst s0;
	s0 =	simm.s32 @!p2 $0x0  }
0x16: {  	s3 =	sld [smem:$0x3FDB];
	s0 =	simm.s32 @p2 $0x1  }
0x17: {  	s4 =	simm.s32 $0x1BF5;
	[smem:$0x3FA4] =	sst s0  }
0x18: {  	s0 =	sld [smem:$0x3F87];
	_ =	swait.ge [sflag:s4], $0x0  }
0x19: {  	s7 =	sld [smem:$0x3F88]  }
0x1a: {  	s8 =	sadd.s32 $0xFFFFE003, lr  }
0x1b: {  	s9 =	sadd.s32 $0xFFFFFEF7, lr;
	s5 =	simm.s32 $0xFFFFFFFF;
	p2 =	slt.u32 s8, $0xFFFFF086  }
0x1c: {  	p1 =	slt.u32 s9, $0xF7A;
	s5 =	simm.s32 @!p2 $0x0  }
0x1d: {  	s5 =	simm.s32 @p1 $0x1;
	p0 =	seq.s32 s7, s2  }
0x1e: {  	s7 =	smul.u32 @!p0 $0xF7A, s2;
	p2 =	seq.s32 @!p0 s5, $0x0  }
0x1f: {  	s9 =	smul.u32 $0xF7A, s1;
	s8 =	simm.s32 @!p0 $0x1BF5;
	p2 =	por !p2, p0  }
0x20: {  	[sflag:s8] =	ssyncset.s32 @!p0 $0xFFFFF086;
	s6 =	sadd.s32 @!p0 s3, s7;
	s7 =	simm.s32 @!p0 $0x108  }
0x21: {  	s3 =	sadd.s32 s3, s9;
	s6 =	sadd.s32 @!p0 $0x88, s6;
	s7 =	simm.s32 @p2 $0x1082  }
0x22: {  	[simem:s7], [sflag:s8] =	dma.local @!p0 [hbm:s6], $0xF7A  }
0x23: {  	s9 =	sor.u32 $0xD0000000, s2;
	s6 =	simm.s32 $0x108;
	_ =	swait.ge @!p0 [sflag:s8], $0x0  }
0x24: {  	s3 =	sadd.s32 $0x88, s3;
	s6 =	simm.s32 @!p1 $0x1082;
	[sflag:s4] =	ssyncset.s32 $0xFFFFF086  }
0x25: {  	[simem:s6], [sflag:s4] =	dma.local [hbm:s3], $0xF7A  }
0x26: {  	[smem:$0x3F88] =	sst s1;
	(tag) =	ssettag s2;
	_ =	strace s9  }
0x27: {  	s1 =	sld [smem:$0x3F98]  }
0x28: {  	s2 =	sld [smem:$0x3F99]  }
0x29: {  	s4 =	sld [smem:$0x3F9B]  }
0x2a: {  	p0 =	seq.s32 s5, $0x0;
	s5 =	sld [smem:$0x3F9C]  }
0x2b: {  	s6 =	sld [smem:$0x3F9D]  }
0x2c: {  	s7 =	sld [smem:$0x3F9E]  }
0x2d: {  	s3 =	simm.s32 $0x108;
	s8 =	sld [smem:$0x3F9F]  }
0x2e: {  	s3 =	simm.s32 @!p0 $0x1082;
	s9 =	sld [smem:$0x3FA0]  }
0x2f: {  	lr =	sadd.s32 s0, s3;
	s0 =	sld [smem:$0x3F97]  }
0x30: {  	s3 =	sld [smem:$0x3F9A]  }
0x31: {  	[smem:$0x3FA3] =	sst s10  }
0x32: {  	s10 =	sld [smem:$0x3FA1];
	_ =	sdelay $0x3  }
0x33: {  	p0 =	seq.s32 s10, $0x1;
	s10 =	sld [smem:$0x3FA3];
	_ =	sdelay $0x3  }
0x34: {  	[smem:$0x3FA3] =	sst s10  }
0x35: {  	s10 =	sld [smem:$0x3FA2];
	_ =	sdelay $0x3  }
0x36: {  	p1 =	seq.s32 s10, $0x1;
	s10 =	sld [smem:$0x3FA3];
	_ =	sdelay $0x3  }
0x37: {  	[smem:$0x3FA3] =	sst s10  }
0x38: {  	s10 =	sld [smem:$0x3FA4]  }
0x39: {  	_ = 	snop;
	(pc) =	sbr.ind lr, $3  }
0x3a: {  	_ = 	snop  }
0x3b: {  	_ = 	snop  }
0x3c: {  	p2 =	seq.s32 s10, $0x1;
	s10 =	sld [smem:$0x3FA3]  }
0x3d: {  	_ =	shalt  }
0x3e: {  	_ =	shalt  }
0x3f: {  	_ =	shalt  }
0x40: {  	_ =	shalt  }
0x41: {  	_ =	shalt  }
0x42: {  	_ =	shalt  }
0x43: {  	_ =	shalt  }
0x44: {  	_ =	shalt  }
0x45: {  	_ =	shalt  }
0x46: {  	_ =	shalt  }
0x47: {  	_ =	shalt  }
0x48: {  	_ =	shalt  }
0x49: {  	_ =	shalt  }
0x4a: {  	_ =	shalt  }
0x4b: {  	_ =	shalt  }
0x4c: {  	_ =	shalt  }
0x4d: {  	_ =	shalt  }
0x4e: {  	_ =	shalt  }
0x4f: {  	_ =	shalt  }
0x50: {  	_ =	shalt  }
0x51: {  	_ =	shalt  }
0x52: {  	_ =	shalt  }
0x53: {  	_ =	shalt  }
0x54: {  	_ =	shalt  }
0x55: {  	_ =	shalt  }
0x56: {  	_ =	shalt  }
0x57: {  	_ =	shalt  }
0x58: {  	_ =	shalt  }
0x59: {  	_ =	shalt  }
0x5a: {  	_ =	shalt  }
0x5b: {  	_ =	shalt  }
0x5c: {  	_ =	shalt  }
0x5d: {  	_ =	shalt  }
0x5e: {  	_ =	shalt  }
0x5f: {  	_ =	shalt  }
0x60: {  	_ =	shalt  }
0x61: {  	_ =	shalt  }
0x62: {  	_ =	shalt  }
0x63: {  	_ =	shalt  }
0x64: {  	_ =	shalt  }
0x65: {  	_ =	shalt  }
0x66: {  	_ =	shalt  }
0x67: {  	_ =	shalt  }
0x68: {  	_ =	shalt  }
0x69: {  	_ =	shalt  }
0x6a: {  	_ =	shalt  }
0x6b: {  	_ =	shalt  }
0x6c: {  	_ =	shalt  }
0x6d: {  	_ =	shalt  }
0x6e: {  	_ =	shalt  }
0x6f: {  	_ =	shalt  }
0x70: {  	_ =	shalt  }
0x71: {  	_ =	shalt  }
0x72: {  	_ =	shalt  }
0x73: {  	_ =	shalt  }
0x74: {  	_ =	shalt  }
0x75: {  	_ =	shalt  }
0x76: {  	_ =	shalt  }
0x77: {  	_ =	shalt  }
0x78: {  	_ =	shalt  }
0x79: {  	_ =	shalt  }
0x7a: {  	_ =	shalt  }
0x7b: {  	_ =	shalt  }
0x7c: {  	_ =	shalt  }
0x7d: {  	_ =	shalt  }
0x7e: {  	_ =	shalt  }
0x7f: {  	_ =	shalt  }
0x80: {  	_ =	shalt  }
0x81: {  	_ =	shalt  }
0x82: {  	_ =	shalt  }
0x83: {  	_ =	shalt  }
0x84: {  	_ =	shalt  }
0x85: {  	_ =	shalt  }
0x86: {  	_ =	shalt  }
0x87: {  	_ =	shalt  }
.Lfunc_end0:
.L_simem_size_0:
called_computation_lowered:
.L_overlay_start_0:
0x88: {  	s2 =	sld [smem:$0x3FD9]  }
0x89: {  	s3 =	sld [smem:$0x3FFE];
	_ =	sdelay $0x1  }
0x8a: {  	s1 =	srdreg.scid  }
0x8b: {  	s0 =	sand.u32 $0x1, s1  }
0x8c: {  	s17 =	sshll.u32 s0, $0xA;
	s2 =	sadd.s32 s3, s2  }
0x8d: {  	s2 =	sadd.s32 s2, s17  }
0x8e: {  	[smem:$0x3FAF] =	sst s2  }
0x8f: {  	_ = 	snop  }
0x90: {  	s2 =	sld [smem:$0x3FC9];
	(tm) =	ssettm $0x1  }
0x91: {  	s18 =	sld [smem:$0x3FFB];
	_ =	sdelay $0x3  }
0x92: {  	_ =	strace s18  }
0x93: {  	s3 =	sld [smem:$0x3FFC];
	_ =	sdelay $0x3  }
0x94: {  	_ =	strace s3  }
0x95: {  	s3 =	sld [smem:$0x3FFD];
	_ =	sdelay $0x3  }
0x96: {  	_ =	strace s3  }
0x97: {  	_ =	strace $0x8FFFFFFF  }
0x98: {  	s19 =	sld [smem:$0x3FDB];
	_ =	sdelay $0x1  }
0x99: {  	s4 =	simm.s32 $_scs_section_size  }
0x9a: {  	s5 =	simm.s32 $_size__tile_overlayer_lowered;
	s6 =	simm.s32 $_tile_overlayer_lowered  }
0x9b: {  	s22 =	simm.s32 $0x1BFF;
	s21 =	sshll.u32 s6, $0x1;
	s3 =	sadd.s32 s4, s19  }
0x9c: {  	s7 =	simm.s32 $0x0;
	s20 =	sshll.u32 s5, $0x1;
	s5 =	sadd.s32 s21, s3  }
0x9d: {  	[timem:s7], [sflag:s22] =	dma.local [hbm:s5], s20  }
0x9e: {  	_ =	swait.ge [sflag:s22], s20  }
0x9f: {  	s4 =	ssub.s32 $0x0, s20;
	[sflag:s22] =	ssyncset.done $0x0  }
0xa0: {  	[sflag:s22] =	ssyncadd.s32 s4;
	_ =	sdelay $0x1  }
0xa1: {  	s23 =	simm.s32 $0x1B8B  }
0xa2: {  	_ =	swait.ge [sflag:s23], $0x1  }
0xa3: {  	[sflag:s23] =	ssyncset.done $0x0  }
0xa4: {  	s25 =	simm.s32 $0x1B8E;
	s24 =	sld [smem:$0x3FFE];
	[sflag:s23] =	ssyncadd.s32 $0xFFFFFFFF  }
0xa5: {  	s26 =	simm.s32 $execute0_lowered;
	[smem:$0x3FD2] =	sst s25  }
0xa6: {  	s5 =	sshll.u32 s26, $0x1;
	_ =	strace $0x80000046;
	[dreg:$0x1] =	wrdreg $0xFFFFFFFF  }
0xa7: {  	s28 =	simm.s32 $_size_execute0_lowered;
	s3 =	sadd.s32 s3, s5;
	[dreg:$0x0] =	wrdreg $0x0  }
0xa8: {  	s5 =	sshll.u32 s28, $0x1;
	[dreg:$0x2] =	wrdreg s3  }
0xa9: {  	[dreg:$0x3] =	wrdreg s5  }
0xaa: {  	[dreg:$0x4] =	wrdreg $0xC0  }
0xab: {  	_ =	task [dreg:s7], $0x5FFFF  }
0xac: {  	[dreg:$0x1] =	wrdreg $0xFFFFFFFF  }
0xad: {  	[dreg:$0x0] =	wrdreg $0x60  }
0xae: {  	[dreg:$0x2] =	wrdreg s2  }
0xaf: {  	[dreg:$0x3] =	wrdreg s24  }
0xb0: {  	[dreg:$0x4] =	wrdreg $0xA9000  }
0xb1: {  	[dreg:$0x5] =	wrdreg $0x9  }
0xb2: {  	_ =	task.clear_ibuf [dreg:s7], $0x6FFFF;
	_ =	strace $0x90000046  }
0xb3: {  	s29 =	simm.s32 $0x9;
	_ =	strace $0x80000048  }
0xb4: {  	_ =	swait.ge [sflag:s29], $0x1  }
0xb5: {  	[sflag:s29] =	ssyncadd.s32 $0xFFFFFFFF  }
0xb6: {  	_ =	strace $0x90000048  }
0xb7: {  	_ =	sfence  }
0xb8: {  	s30 =	sld [smem:$0x0];
	_ =	sdelay $0x2  }
0xb9: {  	s31 =	sshll.u32 s1, $0xD;
	s1 =	sshrl.u32 s1, $0x2  }
0xba: {  	s3 =	sand.u32 $0x4000, s31;
	s1 =	sadd.s32 s1, s30  }
0xbb: {  	s0 =	sor.u32 s3, s0;
	s1 =	sshll.u32 s1, $0x11  }
0xbc: {  	s0 =	sor.u32 s1, s0  }
0xbd: {  	s0 =	sadd.s32 $0x8F2B, s0  }
0xbe: {  	[sflag:s0] =	ssyncadd.remote.s32 $0x1  }
0xbf: {  	_ =	sfence.sel $0xFFFF  }
0xc0: {  	[dreg:$0x0] =	wrdreg $0xFFFFFFFF;
	(pc) =	sbr.abs _section_cstart, $3  }
0xc1: {  	[dreg:$0x1] =	wrdreg $0xFFFFFFFF  }
0xc2: {  	_ =	task.clear_ibuf [dreg:s7], $0x2FFFF;
	_ =	strace $0x9FFFFFFF  }
0xc3: {  	(tm) =	ssettm $0x7FFFFFFF  }
tec
execute0_lowered:
.L_overlay_start_1:
0x0: {  	(tag) =	ssettag $0x1  }
0x1: {  	s0 =	srdreg.scid;
	s1 =	rddreg [dreg:$0x0]  }
0x2: {  	s2 =	rddreg [dreg:$0x1];
	s13 =	stileid.u32  }
0x3: {  	s3 =	rddreg [dreg:$0x2];
	s16 =	simm.s32 $0x40;
	s17 =	simm.s32 $0x2900  }
0x4: {  	s18 =	simm.s32 $0x4900;
	s19 =	simm.s32 $0x2800;
	s20 =	simm.s32 $0x6900  }
0x5: {  	s21 =	simm.s32 $0x8900;
	s22 =	simm.s32 $0x2880;
	s28 =	simm.s32 $0x4  }
0x6: {  	s31 =	simm.s32 $0x0;
	s0 =	sand.u32 $0x1, s0;
	s7 =	smul.u32 $0x2780, s13  }
0x7: {  	s6 =	sadd.s32 $0xE800, s2;
	s11 =	smul.u32 $0x4F000, s13;
	s30 =	sshll.u32 s13, $0x6  }
0x8: {  	s4 =	sshll.u32 s0, $0x4;
	s8 =	smul.u32 $0x27800, s0;
	s0 =	ssub.s32 $0x2, s0  }
0x9: {  	s14 =	sor.u32 $0x1C05, s30;
	s5 =	sor.u32 s13, s4;
	s4 =	simm.s32 $0x0  }
0xa: {  	s12 =	sadd.s32 s7, s2;
	s23 =	sshrl.u32 s0, $0x1;
	s24 =	sshrl.u32 s11, $0x2  }
0xb: {  	s13 =	simm.s32 $0x5;
	s5 =	smul.u32 $0x2800, s5;
	[smem:$0x7FF] =	sst s4  }
0xc: {  	s7 =	sadd.s32 s7, s8;
	s0 =	ssub.s32 s0, s23;
	s26 =	sadd.s32 s24, s3  }
0xd: {  	s29 =	sadd.s32 $0x18800, s12;
	s23 =	simm.s32 $0x1;
	s24 =	simm.s32 $0x3  }
0xe: {  	_ =	strace $0x80000047;
	[dreg:$0x5] =	wrdreg s29;
	s9 =	sshrl.u32 s5, $0x3  }
0xf: {  	s11 =	smax.u32 s0, $0x1;
	s15 =	sshrl.u32 s26, $0x3;
	s10 =	sadd.s32 s9, s2  }
0x10: {  	s26 =	simm.s32 $0x2;
	s2 =	sadd.s32 s7, s2;
	s25 =	sadd.s32 $0x4800, s10  }
0x11: {  	s9 =	sadd.s32 s6, s9;
	s2 =	sadd.s32 $0x40000, s2;
	[dreg:$0x4] =	wrdreg s25  }
0x12: {  	s12 =	sadd.s32 $0x4F0, s9;
	[dreg:$0x6] =	wrdreg s2;
	s25 =	simm.s32 $0x80  }
.LBB2_1:
0x13: {  	s0 =	rddreg [dreg:$0x4]  }
0x14: {  	[tilespmem:s4], [sflag:$0x5] =	stream.linear.gather [hbm4b:s0+s4], $0x2800, $0x38;
	[tilespmem:$0x1E500] =	vst v63  }
0x15: {  	_ =	swait.ge [sflag:s13], $0x2800  }
0x16: {  	[sflag:s13] =	ssyncset.done $0x0  }
0x17: {  	s2 =	rddreg [dreg:$0x5];
	[sflag:s13] =	ssyncadd.s32 $0xFFFFD800  }
0x18: {  	[spmem:s15], [sflag:s14] =	dma.local [hbm:s2], $0x2780  }
0x19: {  	_ =	swait.ge [sflag:s13], $0x2780  }
0x1a: {  	[sflag:s13] =	ssyncset.done $0x0  }
0x1b: {  	[sflag:s13] =	ssyncadd.s32 $0xFFFFD880  }
0x1c: {  	s7 =	simm.s32 $0x0;
	[bflag:$0x0] =	sbarrier.arrive $0xFFFF  }
0x1d: {  	[tilespmem:s17], [sflag:$0x1] =	stream.indirect.gather [hbm4b:s1+s16], $0x80, s4, s16, $0xb8;
	[tilespmem:$0x1E500] =	vst v63  }
0x1e: {  	s0 =	sand.u32 $0x3C00, s7;
	s2 =	simm.s32 $0x80  }
0x1f: {  	[tilespmem:s18], [sflag:$0x1] =	stream.indirect.gather [hbm4b:s1+s16], $0x80, s16, s16, $0xb8;
	[tilespmem:$0x1E500] =	vst v63  }
0x20: {  	s0 =	sadd.s32 s5, s0;
	s2 =	sand.u32 $0x380, s2  }
0x21: {  	[tilespmem:s19], [sflag:$0x3] =	stream.linear.gather [hbm4b:s9+s4], $0x80, $0x38;
	[tilespmem:$0x1E500] =	vst v63  }
0x22: {  	s8 =	simm.s32 $0x80;
	s0 =	sor.u32 s2, s0  }
0x23: {  	[tilespmem:s20], [sflag:$0x2] =	stream.indirect.gather [hbm4b:s1+s16], $0x80, s8, s16, $0xb8;
	[tilespmem:$0x1E500] =	vst v63  }
0x24: {  	s10 =	simm.s32 $0xC0;
	s0 =	sshrl.u32 s0, $0x3  }
0x25: {  	[tilespmem:s21], [sflag:$0x2] =	stream.indirect.gather [hbm4b:s1+s16], $0x80, s10, s16, $0xb8;
	[tilespmem:$0x1E500] =	vst v63  }
0x26: {  	s0 =	sadd.s32 s6, s0  }
0x27: {  	[tilespmem:s22], [sflag:$0x4] =	stream.linear.gather [hbm4b:s0+s4], $0x80, $0x38;
	[tilespmem:$0x1E500] =	vst v63  }
0x28: {  	_ =	swait.ge [sflag:s23], $0x2000  }
0x29: {  	[sflag:s23] =	ssyncset.done $0x0  }
0x2a: {  	[sflag:s23] =	ssyncadd.s32 $0xFFFFE000  }
0x2b: {  	_ =	swait.ge [sflag:s23], $0x2000  }
0x2c: {  	[sflag:s23] =	ssyncset.done $0x0  }
0x2d: {  	[sflag:s23] =	ssyncadd.s32 $0xFFFFE000  }
0x2e: {  	_ =	swait.ge [sflag:s24], $0x80  }
0x2f: {  	[sflag:s24] =	ssyncset.done $0x0  }
0x30: {  	s7 =	simm.s32 $0x100;
	[sflag:s24] =	ssyncadd.s32 $0xFFFFFF80  }
0x31: {  	[spmem:s3] =	stream.indirect.scatter.add.f32 [tilespmem:s17], [sflag:$0x5], $0x80, s19, s25, $0xb8;
	[tilespmem:$0x1E500] =	vst v63  }
0x32: {  	s8 =	sand.u32 $0x7C00, s7;
	_ =	swait.ge [sflag:s13], $0x4000  }
0x33: {  	s2 =	sadd.s32 s5, s8;
	s0 =	sand.u32 $0x300, s7;
	[sflag:s13] =	ssyncset.done $0x0  }
0x34: {  	s7 =	simm.s32 $0x100;
	s0 =	sor.u32 s0, s2;
	[sflag:s13] =	ssyncadd.s32 $0xFFFFC000  }
0x35: {  	[tilespmem:s17], [sflag:$0x1] =	stream.indirect.gather [hbm4b:s1+s16], $0x80, s7, s16, $0xb8;
	[tilespmem:$0x1E500] =	vst v63  }
0x36: {  	s10 =	simm.s32 $0x140;
	s0 =	sshrl.u32 s0, $0x3  }
0x37: {  	[tilespmem:s18], [sflag:$0x1] =	stream.indirect.gather [hbm4b:s1+s16], $0x80, s10, s16, $0xb8;
	[tilespmem:$0x1E500] =	vst v63  }
0x38: {  	s0 =	sadd.s32 s6, s0  }
0x39: {  	[tilespmem:s19], [sflag:$0x3] =	stream.linear.gather [hbm4b:s0+s4], $0x80, $0x38;
	[tilespmem:$0x1E500] =	vst v63  }
0x3a: {  	_ =	swait.ge [sflag:s26], $0x2000  }
0x3b: {  	[sflag:s26] =	ssyncset.done $0x0  }
0x3c: {  	[sflag:s26] =	ssyncadd.s32 $0xFFFFE000  }
0x3d: {  	_ =	swait.ge [sflag:s26], $0x2000  }
0x3e: {  	[sflag:s26] =	ssyncset.done $0x0  }
0x3f: {  	[sflag:s26] =	ssyncadd.s32 $0xFFFFE000  }
0x40: {  	s30 =	simm.s32 $0x100;
	s29 =	simm.s32 $0x100;
	_ =	swait.ge [sflag:s28], $0x80  }
0x41: {  	s30 =	sand.u32 $0x3C00, s30;
	s2 =	simm.s32 $0x200;
	[sflag:s28] =	ssyncset.done $0x0  }
0x42: {  	s7 =	simm.s32 $0x180;
	s0 =	simm.s32 $0x800;
	[sflag:s28] =	ssyncadd.s32 $0xFFFFFF80  }
.LBB2_2:
0x43: {  	[spmem:s3] =	stream.indirect.scatter.add.f32 [tilespmem:s20], [sflag:$0x5], $0x80, s22, s25, $0xb8;
	[tilespmem:$0x1E500] =	vst v63  }
0x44: {  	s30 =	sadd.s32 s5, s30;
	s7 =	sand.u32 $0x380, s7;
	_ =	swait.ge [sflag:s13], $0x4000  }
0x45: {  	s8 =	sadd.s32 $0xC0, s29;
	s7 =	sor.u32 s7, s30;
	[sflag:s13] =	ssyncset.done $0x0  }
0x46: {  	s30 =	sadd.s32 $0x80, s29;
	s7 =	sshrl.u32 s7, $0x3;
	[sflag:s13] =	ssyncadd.s32 $0xFFFFC000  }
0x47: {  	[tilespmem:s20], [sflag:$0x2] =	stream.indirect.gather [hbm4b:s1+s16], $0x80, s30, s16, $0xb8;
	[tilespmem:$0x1E500] =	vst v63  }
0x48: {  	p0 =	sne.s32 s0, $0x9800;
	s30 =	smov.u32 s0;
	s0 =	sadd.s32 $0x400, s0  }
0x49: {  	[tilespmem:s21], [sflag:$0x2] =	stream.indirect.gather [hbm4b:s1+s16], $0x80, s8, s16, $0xb8;
	[tilespmem:$0x1E500] =	vst v63  }
0x4a: {  	s7 =	sadd.s32 s6, s7  }
0x4b: {  	[tilespmem:s22], [sflag:$0x4] =	stream.linear.gather [hbm4b:s7+s4], $0x80, $0x38;
	[tilespmem:$0x1E500] =	vst v63  }
0x4c: {  	_ =	swait.ge [sflag:s23], $0x2000  }
0x4d: {  	[sflag:s23] =	ssyncset.done $0x0  }
0x4e: {  	[sflag:s23] =	ssyncadd.s32 $0xFFFFE000  }
0x4f: {  	_ =	swait.ge [sflag:s23], $0x2000  }
0x50: {  	[sflag:s23] =	ssyncset.done $0x0  }
0x51: {  	[sflag:s23] =	ssyncadd.s32 $0xFFFFE000  }
0x52: {  	_ =	swait.ge [sflag:s24], $0x80  }
0x53: {  	[sflag:s24] =	ssyncset.done $0x0  }
0x54: {  	s7 =	sand.u32 $0x300, s2;
	[sflag:s24] =	ssyncadd.s32 $0xFFFFFF80  }
0x55: {  	[spmem:s3] =	stream.indirect.scatter.add.f32 [tilespmem:s17], [sflag:$0x5], $0x80, s19, s25, $0xb8;
	[tilespmem:$0x1E500] =	vst v63  }
0x56: {  	s10 =	sand.u32 $0x7C00, s2;
	s8 =	sadd.s32 $0x100, s29;
	_ =	swait.ge [sflag:s13], $0x4000  }
0x57: {  	s10 =	sadd.s32 s5, s10;
	s29 =	sadd.s32 $0x140, s29;
	[sflag:s13] =	ssyncset.done $0x0  }
0x58: {  	s7 =	sor.u32 s7, s10;
	[sflag:s13] =	ssyncadd.s32 $0xFFFFC000  }
0x59: {  	[tilespmem:s17], [sflag:$0x1] =	stream.indirect.gather [hbm4b:s1+s16], $0x80, s8, s16, $0xb8;
	[tilespmem:$0x1E500] =	vst v63  }
0x5a: {  	s7 =	sshrl.u32 s7, $0x3  }
0x5b: {  	[tilespmem:s18], [sflag:$0x1] =	stream.indirect.gather [hbm4b:s1+s16], $0x80, s29, s16, $0xb8;
	[tilespmem:$0x1E500] =	vst v63  }
0x5c: {  	s7 =	sadd.s32 s6, s7  }
0x5d: {  	[tilespmem:s19], [sflag:$0x3] =	stream.linear.gather [hbm4b:s7+s4], $0x80, $0x38;
	[tilespmem:$0x1E500] =	vst v63  }
0x5e: {  	_ =	swait.ge [sflag:s26], $0x2000  }
0x5f: {  	[sflag:s26] =	ssyncset.done $0x0  }
0x60: {  	[sflag:s26] =	ssyncadd.s32 $0xFFFFE000  }
0x61: {  	_ =	swait.ge [sflag:s26], $0x2000  }
.Ltmp0:
0x62: {  	[sflag:s26] =	ssyncset.done $0x0;
	(pc) =	sbr.rel @p0 .LBB2_2-.Ltmp0, $4  }
0x63: {  	s2 =	sadd.s32 $0x100, s2;
	[sflag:s26] =	ssyncadd.s32 $0xFFFFE000  }
0x64: {  	s7 =	sadd.s32 $0xFFFFFF80, s2;
	_ =	swait.ge [sflag:s28], $0x80  }
0x65: {  	s8 =	sadd.s32 $0xFFFFFF00, s2;
	s29 =	sshra.s32 s30, $0x2;
	[sflag:s28] =	ssyncset.done $0x0  }
0x66: {  	s30 =	sand.u32 $0x3C00, s8;
	[sflag:s28] =	ssyncadd.s32 $0xFFFFFF80  }
0x67: {  	[spmem:s3] =	stream.indirect.scatter.add.f32 [tilespmem:s20], [sflag:$0x5], $0x80, s22, s25, $0xb8;
	[tilespmem:$0x1E500] =	vst v63  }
0x68: {  	_ =	swait.ge [sflag:s13], $0x4000  }
0x69: {  	s0 =	sadd.s32 $0x80, s29;
	[sflag:s13] =	ssyncset.done $0x0  }
0x6a: {  	s30 =	sadd.s32 s5, s30;
	s7 =	sand.u32 $0x380, s7;
	[sflag:s13] =	ssyncadd.s32 $0xFFFFC000  }
0x6b: {  	[tilespmem:s20], [sflag:$0x2] =	stream.indirect.gather [hbm4b:s1+s16], $0x80, s0, s16, $0xb8;
	[tilespmem:$0x1E500] =	vst v63  }
0x6c: {  	s0 =	sor.u32 s7, s30  }
0x6d: {  	s8 =	sadd.s32 $0xC0, s29;
	s0 =	sshrl.u32 s0, $0x3  }
0x6e: {  	[tilespmem:s21], [sflag:$0x2] =	stream.indirect.gather [hbm4b:s1+s16], $0x80, s8, s16, $0xb8;
	[tilespmem:$0x1E500] =	vst v63  }
0x6f: {  	s0 =	sadd.s32 s6, s0  }
0x70: {  	[tilespmem:s22], [sflag:$0x4] =	stream.linear.gather [hbm4b:s0+s4], $0x80, $0x38;
	[tilespmem:$0x1E500] =	vst v63  }
0x71: {  	_ =	swait.ge [sflag:s23], $0x2000  }
0x72: {  	[sflag:s23] =	ssyncset.done $0x0  }
0x73: {  	[sflag:s23] =	ssyncadd.s32 $0xFFFFE000  }
0x74: {  	_ =	swait.ge [sflag:s23], $0x2000  }
0x75: {  	[sflag:s23] =	ssyncset.done $0x0  }
0x76: {  	[sflag:s23] =	ssyncadd.s32 $0xFFFFE000  }
0x77: {  	_ =	swait.ge [sflag:s24], $0x80  }
0x78: {  	[sflag:s24] =	ssyncset.done $0x0  }
0x79: {  	[sflag:s24] =	ssyncadd.s32 $0xFFFFFF80  }
0x7a: {  	[spmem:s3] =	stream.indirect.scatter.add.f32 [tilespmem:s17], [sflag:$0x5], $0x80, s19, s25, $0xb8;
	[tilespmem:$0x1E500] =	vst v63  }
0x7b: {  	s30 =	sand.u32 $0x7C00, s2;
	_ =	swait.ge [sflag:s13], $0x4000  }
0x7c: {  	s7 =	sand.u32 $0x300, s2;
	s0 =	sadd.s32 s5, s30;
	[sflag:s13] =	ssyncset.done $0x0  }
0x7d: {  	s10 =	sadd.s32 $0x100, s29;
	s0 =	sor.u32 s7, s0;
	[sflag:s13] =	ssyncadd.s32 $0xFFFFC000  }
0x7e: {  	[tilespmem:s17], [sflag:$0x1] =	stream.indirect.gather [hbm4b:s1+s16], $0x80, s10, s16, $0xb8;
	[tilespmem:$0x1E500] =	vst v63  }
0x7f: {  	s8 =	sadd.s32 $0x140, s29;
	s0 =	sshrl.u32 s0, $0x3  }
0x80: {  	[tilespmem:s18], [sflag:$0x1] =	stream.indirect.gather [hbm4b:s1+s16], $0x80, s8, s16, $0xb8;
	[tilespmem:$0x1E500] =	vst v63  }
0x81: {  	s0 =	sadd.s32 s6, s0  }
0x82: {  	[tilespmem:s19], [sflag:$0x3] =	stream.linear.gather [hbm4b:s0+s4], $0x80, $0x38;
	[tilespmem:$0x1E500] =	vst v63  }
0x83: {  	_ =	swait.ge [sflag:s26], $0x2000  }
0x84: {  	[sflag:s26] =	ssyncset.done $0x0  }
0x85: {  	[sflag:s26] =	ssyncadd.s32 $0xFFFFE000  }
0x86: {  	_ =	swait.ge [sflag:s26], $0x2000  }
0x87: {  	[sflag:s26] =	ssyncset.done $0x0  }
0x88: {  	[sflag:s26] =	ssyncadd.s32 $0xFFFFE000  }
0x89: {  	_ =	swait.ge [sflag:s28], $0x80  }
0x8a: {  	[sflag:s28] =	ssyncset.done $0x0  }
0x8b: {  	[sflag:s28] =	ssyncadd.s32 $0xFFFFFF80  }
0x8c: {  	[spmem:s3] =	stream.indirect.scatter.add.f32 [tilespmem:s20], [sflag:$0x5], $0x80, s22, s25, $0xb8;
	[tilespmem:$0x1E500] =	vst v63  }
0x8d: {  	_ =	swait.ge [sflag:s13], $0x4000  }
0x8e: {  	[sflag:s13] =	ssyncset.done $0x0  }
0x8f: {  	s10 =	simm.s32 $0x2780;
	[sflag:s13] =	ssyncadd.s32 $0xFFFFC000  }
0x90: {  	[tilespmem:s20], [sflag:$0x2] =	stream.indirect.gather [hbm4b:s1+s16], $0x80, s10, s16, $0xb8;
	[tilespmem:$0x1E500] =	vst v63  }
0x91: {  	s29 =	simm.s32 $0x27C0  }
0x92: {  	[tilespmem:s21], [sflag:$0x2] =	stream.indirect.gather [hbm4b:s1+s16], $0x80, s29, s16, $0xb8;
	[tilespmem:$0x1E500] =	vst v63  }
0x93: {  	_ = 	snop  }
0x94: {  	[tilespmem:s22], [sflag:$0x4] =	stream.linear.gather [hbm4b:s12+s4], $0x80, $0x38;
	[tilespmem:$0x1E500] =	vst v63  }
0x95: {  	_ =	swait.ge [sflag:s23], $0x2000  }
0x96: {  	[sflag:s23] =	ssyncset.done $0x0  }
0x97: {  	[sflag:s23] =	ssyncadd.s32 $0xFFFFE000  }
0x98: {  	_ =	swait.ge [sflag:s23], $0x2000  }
0x99: {  	[sflag:s23] =	ssyncset.done $0x0  }
0x9a: {  	[sflag:s23] =	ssyncadd.s32 $0xFFFFE000  }
0x9b: {  	_ =	swait.ge [sflag:s24], $0x80  }
0x9c: {  	[sflag:s24] =	ssyncset.done $0x0  }
0x9d: {  	[sflag:s24] =	ssyncadd.s32 $0xFFFFFF80  }
0x9e: {  	[spmem:s3] =	stream.indirect.scatter.add.f32 [tilespmem:s17], [sflag:$0x5], $0x80, s19, s25, $0xb8;
	[tilespmem:$0x1E500] =	vst v63  }
0x9f: {  	_ =	swait.ge [sflag:s13], $0x4000  }
0xa0: {  	[sflag:s13] =	ssyncset.done $0x0  }
0xa1: {  	[sflag:s13] =	ssyncadd.s32 $0xFFFFC000  }
0xa2: {  	_ =	swait.ge [sflag:s26], $0x2000  }
0xa3: {  	[sflag:s26] =	ssyncset.done $0x0  }
0xa4: {  	[sflag:s26] =	ssyncadd.s32 $0xFFFFE000  }
0xa5: {  	_ =	swait.ge [sflag:s26], $0x2000  }
0xa6: {  	[sflag:s26] =	ssyncset.done $0x0  }
0xa7: {  	[sflag:s26] =	ssyncadd.s32 $0xFFFFE000  }
0xa8: {  	_ =	swait.ge [sflag:s28], $0x80  }
0xa9: {  	[sflag:s28] =	ssyncset.done $0x0  }
0xaa: {  	[sflag:s28] =	ssyncadd.s32 $0xFFFFFF80  }
0xab: {  	[spmem:s3] =	stream.indirect.scatter.add.f32 [tilespmem:s20], [sflag:$0x5], $0x80, s22, s25, $0xb8;
	[tilespmem:$0x1E500] =	vst v63  }
0xac: {  	_ =	swait.ge [sflag:s13], $0x4000  }
0xad: {  	[sflag:s13] =	ssyncset.done $0x0  }
0xae: {  	s31 =	sadd.s32 $0x1, s31;
	[sflag:s13] =	ssyncadd.s32 $0xFFFFC000  }
0xaf: {  	p0 =	sne.s32 s31, s11;
	[bflag:$0x0] =	sbarrier.arrive $0xFFFF  }
.Ltmp1:
0xb0: {  	s30 =	rddreg [dreg:$0x6];
	(pc) =	sbr.rel @p0 .LBB2_1-.Ltmp1, $4  }
0xb1: {  	[hbm:s30], [sflag:s14] =	dma.local [spmem:s15], $0x2780  }
0xb2: {  	_ =	swait.ge [sflag:s13], $0x2780  }
0xb3: {  	[sflag:s13] =	ssyncset.done $0x0  }
0xb4: {  	[sflag:s13] =	ssyncadd.s32 $0xFFFFD880  }
0xb5: {  	_ =	sfence.sel $0x180000  }
0xb6: {  	[bflag:$0x0] =	sbarrier.arrive $0xFFFF  }
0xb7: {  	_ =	strace $0x90000047  }
0xb8: {  	s0 =	stileid.u32;
	[bflag:$0x2] =	sbarrier.arrive $0xFFFF  }
0xb9: {  	p0 =	sne.s32 s0, $0x0;
	s0 =	rddreg [dreg:$0x3]  }
0xba: {  	s0 =	sadd.s32 @!p0 $0x100000, s0  }
0xbb: {  	[sflag:s0] =	ssyncadd.tile.s32 @!p0 $0x1;
	_ =	shalt  }
.Lfunc_end2:
_tile_overlayer_lowered:
.L_overlay_start_2:
0xbc: {  	(tag) =	ssettag $0x2  }
0xbd: {  	s0 =	rddreg [dreg:$0x0];
	s2 =	stileid.u32  }
0xbe: {  	s1 =	rddreg [dreg:$0x1];
	p0 =	sne.s32 s2, $0x0  }
0xbf: {  	s3 =	rddreg [dreg:$0x2];
	[bflag:$0x3] =	sbarrier.arrive $0xFFFF;
	s2 =	simm.s32 @!p0 $0x1C05  }
0xc0: {  	[timem:s3], [sflag:s2] =	dma.local @!p0 [hbm:s0], s1  }
0xc1: {  	s0 =	simm.s32 @!p0 $0x5  }
0xc2: {  	_ =	swait.ge @!p0 [sflag:s0], s1  }
0xc3: {  	s1 =	ssub.s32 @!p0 $0x0, s1;
	[sflag:s0] =	ssyncset.done @!p0 $0x0  }
0xc4: {  	[sflag:s0] =	ssyncadd.s32 @!p0 s1  }
0xc5: {  	[bflag:$0x3] =	sbarrier.arrive $0xFFFF  }
0xc6: {  	_ =	shalt  }

</sc_bundles>
